<compile_context>
chip_gen: v7x
topology: tpu7x:2x2x1
jax: 0.10.2.dev20260603
libtpu: 0.0.44.dev20260713+nightly
codegen_flags: <defaults>
</compile_context>

<pallas_src>
import dataclasses
import functools

import jax
import jax.numpy as jnp
from jax import lax
from jax.experimental import pallas as pl
from jax.experimental.pallas import tpu as pltpu
from jax.experimental.pallas import tpu_sc as plsc

B, N1, N2, NS = 4, 4096, 4096, 3
QT = 512
LANES = 16
NW = 32
NQ_W = B * N2 // NW
W_PER_B = N2 // NQ_W
TBL_W = N1 * LANES


def _knn_body(p1_ref, f1_ref, p2_ref, iw_ref):
    keys = p1_ref[0] + f1_ref[0]
    q = p2_ref[0]
    dx = q[:, 0:1] - keys[0:1, :]
    dy = q[:, 1:2] - keys[1:2, :]
    dz = q[:, 2:3] - keys[2:3, :]
    d2ex = dx * dx + dy * dy + dz * dz
    q2 = jnp.sum(q * q, axis=1, keepdims=True)
    k2 = (keys[0:1, :] * keys[0:1, :]
          + keys[1:2, :] * keys[1:2, :]
          + keys[2:3, :] * keys[2:3, :])
    dotn = lax.dot_general(q, -2.0 * keys, (((1,), (0,)), ((), ())),
                           preferred_element_type=jnp.float32)
    d2 = (q2 + k2) + dotn
    iotaf = lax.broadcasted_iota(jnp.int32, (QT, N1), 1).astype(jnp.float32)
    big = jnp.float32(3.0e38)

    def pick(d, last=False):
        m = jnp.min(d, axis=1, keepdims=True)
        eq = d == m
        fi = jnp.min(jnp.where(eq, iotaf, big), axis=1, keepdims=True)
        mex = jnp.min(jnp.where(eq, d2ex, big), axis=1, keepdims=True)
        i = fi.astype(jnp.int32)
        dn = None if last else jnp.where(eq, big, d)
        return i, mex, dn

    i1, m1, d2 = pick(d2)
    i2, m2, d2 = pick(d2)
    i3, m3, _ = pick(d2, last=True)

    r1 = 1.0 / jnp.maximum(jnp.sqrt(m1), 1e-10)
    r2 = 1.0 / jnp.maximum(jnp.sqrt(m2), 1e-10)
    r3 = 1.0 / jnp.maximum(jnp.sqrt(m3), 1e-10)
    norm = r1 + r2 + r3

    icat = jnp.concatenate([i1, i2, i3], axis=1) * LANES
    wcat = jnp.concatenate([r1 / norm, r2 / norm, r3 / norm], axis=1)
    allc = jnp.concatenate(
        [icat, lax.bitcast_convert_type(wcat, jnp.int32),
         jnp.zeros((QT, 2), jnp.int32)], axis=1)
    iw_ref[0] = jnp.swapaxes(allc, 0, 1)


def _knn(pos1, flow1, p2t):
    grid = (B, N2 // QT)
    return pl.pallas_call(
        _knn_body,
        grid=grid,
        in_specs=[
            pl.BlockSpec((1, 3, N1), lambda b, qi: (b, 0, 0)),
            pl.BlockSpec((1, 3, N1), lambda b, qi: (b, 0, 0)),
            pl.BlockSpec((1, QT, 3), lambda b, qi: (b, qi, 0)),
        ],
        out_specs=pl.BlockSpec((1, 8, QT), lambda b, qi: (b, 0, qi)),
        out_shape=jax.ShapeDtypeStruct((B, 8, N2), jnp.int32),
        compiler_params=pltpu.CompilerParams(
            dimension_semantics=("parallel", "arbitrary")),
    )(pos1, flow1, p2t)


def _sc_warp(tblf, iwf, p2f):
    mesh = plsc.VectorSubcoreMesh(core_axis_name="c", subcore_axis_name="s")
    cp = pltpu.CompilerParams()
    if "needs_layout_passes" in pltpu.CompilerParams.__dataclass_fields__:
        cp = dataclasses.replace(cp, needs_layout_passes=False)

    @functools.partial(
        pl.kernel,
        mesh=mesh,
        compiler_params=cp,
        out_type=jax.ShapeDtypeStruct((B * NS * N2,), jnp.float32),
        scratch_types=[
            pltpu.VMEM((TBL_W,), jnp.float32),
            pltpu.VMEM((NQ_W,), jnp.int32),
            pltpu.VMEM((NQ_W,), jnp.int32),
            pltpu.VMEM((NQ_W,), jnp.int32),
            pltpu.VMEM((NQ_W,), jnp.int32),
            pltpu.VMEM((NQ_W,), jnp.int32),
            pltpu.VMEM((NQ_W,), jnp.int32),
            pltpu.VMEM((NS * NQ_W,), jnp.float32),
            pltpu.VMEM((NS * NQ_W,), jnp.float32),
            pltpu.SemaphoreType.DMA,
        ],
    )
    def k(tbl_hbm, iw_hbm, p2_hbm,
          out_hbm, tbl_v, i1_v, i2_v, i3_v, w1_v, w2_v, w3_v, p2_v, out_v,
          sem):
        wid = lax.axis_index("s") * 2 + lax.axis_index("c")
        qbase = wid * NQ_W
        b = wid // W_PER_B
        qoff = qbase - b * N2

        copies = [
            pltpu.async_copy(tbl_hbm.at[pl.ds(b * TBL_W, TBL_W)], tbl_v, sem),
        ]
        for d, (iv, wv) in enumerate(((i1_v, w1_v), (i2_v, w2_v),
                                      (i3_v, w3_v))):
            irow = (b * 8 + d) * N2 + qoff
            wrow = (b * 8 + NS + d) * N2 + qoff
            copies.append(pltpu.async_copy(iw_hbm.at[pl.ds(irow, NQ_W)], iv, sem))
            copies.append(pltpu.async_copy(iw_hbm.at[pl.ds(wrow, NQ_W)], wv, sem))
            copies.append(pltpu.async_copy(
                p2_hbm.at[pl.ds((b * NS + d) * N2 + qoff, NQ_W)],
                p2_v.at[pl.ds(d * NQ_W, NQ_W)], sem))
        for c in copies:
            c.wait()

        @pl.loop(0, NQ_W, step=LANES)
        def _(j):
            s = pl.ds(j, LANES)
            a1 = i1_v[s]
            a2 = i2_v[s]
            a3 = i3_v[s]
            w1 = plsc.bitcast(w1_v[s], jnp.float32)
            w2 = plsc.bitcast(w2_v[s], jnp.float32)
            w3 = plsc.bitcast(w3_v[s], jnp.float32)
            for d in range(NS):
                g1 = plsc.load_gather(tbl_v, [a1 + d])
                g2 = plsc.load_gather(tbl_v, [a2 + d])
                g3 = plsc.load_gather(tbl_v, [a3 + d])
                f = w1 * g1 + w2 * g2 + w3 * g3
                res = p2_v[pl.ds(d * NQ_W + j, LANES)] - f
                res = jnp.minimum(jnp.maximum(res, -10.0), 10.0)
                out_v[pl.ds(d * NQ_W + j, LANES)] = res

        out_copies = []
        for d in range(NS):
            out_copies.append(pltpu.async_copy(
                out_v.at[pl.ds(d * NQ_W, NQ_W)],
                out_hbm.at[pl.ds((b * NS + d) * N2 + qoff, NQ_W)], sem))
        for c in out_copies:
            c.wait()

    return k(tblf, iwf, p2f)


def kernel(pos1, pos2, flow1):
    p2t = jnp.transpose(pos2, (0, 2, 1))
    iw = _knn(pos1, flow1, p2t)
    f1t = jnp.transpose(flow1, (0, 2, 1)).reshape(B * N1, NS)
    tblf = jnp.pad(f1t, ((0, 0), (0, LANES - NS))).reshape(-1)
    out = _sc_warp(tblf, iw.reshape(-1), pos2.reshape(-1))
    return out.reshape(B, NS, N2)

# --- scband reference (transcript-rebuilt; emitter-appended) ---
"""Pipeline reference for scband-point-warping-9354438770941 (READ-ONLY COPY).

The authoritative reference and input builder live on the scoring server;
editing this copy changes nothing except your own understanding.
"""

import jax, jax.numpy as jnp
import numpy as np


def setup_inputs(seed: int = 0) -> dict:
    key = jax.random.key(seed)
    k1, k2, k3 = jax.random.split(key, 3)
    B, N1, N2 = 4, 4096, 4096
    pos1 = jax.random.normal(k1, (B, 3, N1), dtype=jnp.float32)
    pos2 = jax.random.normal(k2, (B, 3, N2), dtype=jnp.float32)
    flow1 = jax.random.normal(k3, (B, 3, N1), dtype=jnp.float32) * 0.05
    return {"pos1": pos1, "pos2": pos2, "flow1": flow1}


def _knn_idx(p2, p1, k):
    # p2: [B, N2, 3] queries, p1: [B, N1, 3] keys -> idx [B, N2, k] of k nearest keys
    d2 = (jnp.sum(p2 ** 2, axis=-1)[:, :, None]
          + jnp.sum(p1 ** 2, axis=-1)[:, None, :]
          - 2.0 * jnp.einsum('bnd,bmd->bnm', p2, p1))
    _, idx = jax.lax.top_k(-d2, k)
    return idx


def reference(pos1, pos2, flow1):
    # add_Seg_after_FLow assumed False; nsample=None -> three_nn path (nsample=3)
    nsample = 3
    pos1_to_2 = pos1 + flow1                      # [B, 3, N1]
    p1 = jnp.transpose(pos1_to_2, (0, 2, 1))      # [B, N1, 3]
    p2 = jnp.transpose(pos2, (0, 2, 1))           # [B, N2, 3]
    knn_idx = _knn_idx(p2, p1, nsample)           # [B, N2, 3]
    # grouping_operation(pos1_to_2, knn_idx) -> gather neighbor coords
    grouped = jax.vmap(lambda pts, i: pts[i])(p1, knn_idx)   # [B, N2, ns, 3]
    grouped_pos_norm = grouped - p2[:, :, None, :]           # [B, N2, ns, 3]
    dist = jnp.maximum(jnp.sqrt(jnp.sum(grouped_pos_norm ** 2, axis=-1)), 1e-10)  # [B, N2, ns]
    norm = jnp.sum(1.0 / dist, axis=2, keepdims=True)        # [B, N2, 1]
    weight = 1.0 / dist / norm                               # [B, N2, ns]
    f1 = jnp.transpose(flow1, (0, 2, 1))                     # [B, N1, 3]
    grouped_flow1 = jax.vmap(lambda f, i: f[i])(f1, knn_idx) # [B, N2, ns, 3]
    flow2 = jnp.sum(weight[..., None] * grouped_flow1, axis=2)  # [B, N2, 3]
    warped_pos2 = p2 - flow2                                 # [B, N2, 3]
    warped_pos2 = jnp.transpose(warped_pos2, (0, 2, 1))      # [B, 3, N2]
    return jnp.clip(warped_pos2, -10.0, 10.0)

if __name__ == "__main__":
    import jax
    _d = setup_inputs()
    print(jax.jit(kernel)(*tuple(_d.values())))

</pallas_src>

<mosaic_0001>
#map = affine_map<(d0, d1) -> (0)>
module attributes {stable_mosaic.version = 14 : i64} {
  func.func @k(%arg0: i32, %arg1: i32, %arg2: memref<262144xf32, #tpu.memory_space<hbm>>, %arg3: memref<131072xi32, #tpu.memory_space<hbm>>, %arg4: memref<49152xf32, #tpu.memory_space<hbm>>, %arg5: memref<49152xf32, #tpu.memory_space<hbm>>, %arg6: memref<65536xf32, #tpu.memory_space<vmem>>, %arg7: memref<512xi32, #tpu.memory_space<vmem>>, %arg8: memref<512xi32, #tpu.memory_space<vmem>>, %arg9: memref<512xi32, #tpu.memory_space<vmem>>, %arg10: memref<512xi32, #tpu.memory_space<vmem>>, %arg11: memref<512xi32, #tpu.memory_space<vmem>>, %arg12: memref<512xi32, #tpu.memory_space<vmem>>, %arg13: memref<1536xf32, #tpu.memory_space<vmem>>, %arg14: memref<1536xf32, #tpu.memory_space<vmem>>, %arg15: memref<!tpu.dma_semaphore, #tpu.memory_space<semaphore_mem>>) attributes {dimension_semantics = [#tpu.dimension_semantics<core_parallel>, #tpu.dimension_semantics<subcore_parallel>], iteration_bounds = array<i64: 2, 16>, scalar_prefetch = 0 : i64, scratch_operands = 10 : i64, tpu.core_type = #tpu.core_type<sc_vector_subcore>, window_params = [{transform_indices = #map}, {transform_indices = #map}, {transform_indices = #map}, {transform_indices = #map}]} {
    %mul3A = arith.constant 2 : i32
    %mul3A_0 = arith.muli %arg1, %mul3A : i32
    %add3A = arith.addi %mul3A_0, %arg0 : i32
    %mul3A_1 = arith.constant 512 : i32
    %mul3A_2 = arith.muli %add3A, %mul3A_1 : i32
    %jit3A = arith.constant 8 : i32
    %div3A = arith.divsi %add3A, %jit3A : i32
    %sign3A = arith.constant 0 : i32
    %sign3A_3 = arith.cmpi sgt, %add3A, %sign3A : i32
    %sign3A_4 = arith.extui %sign3A_3 : i1 to i32
    %sign3A_5 = arith.constant 0 : i32
    %sign3A_6 = arith.cmpi slt, %add3A, %sign3A_5 : i32
    %sign3A_7 = arith.extui %sign3A_6 : i1 to i32
    %sign3A_8 = arith.subi %sign3A_4, %sign3A_7 : i32
    %sign3A_9 = arith.constant 0 : i32
    %sign3A_10 = arith.cmpi sgt, %jit3A, %sign3A_9 : i32
    %sign3A_11 = arith.extui %sign3A_10 : i1 to i32
    %sign3A_12 = arith.constant 0 : i32
    %sign3A_13 = arith.cmpi slt, %jit3A, %sign3A_12 : i32
    %sign3A_14 = arith.extui %sign3A_13 : i1 to i32
    %sign3A_15 = arith.subi %sign3A_11, %sign3A_14 : i32
    %ne3A = arith.cmpi ne, %sign3A_8, %sign3A_15 : i32
    %rem3A = arith.remsi %add3A, %jit3A : i32
    %ne3A_16 = arith.constant 0 : i32
    %ne3A_17 = arith.cmpi ne, %rem3A, %ne3A_16 : i32
    %and3A = arith.andi %ne3A, %ne3A_17 : i1
    %sub3A = arith.constant 1 : i32
    %sub3A_18 = arith.subi %div3A, %sub3A : i32
    %select_n3A = arith.select %and3A, %sub3A_18, %div3A : i32
    %mul3A_19 = arith.constant 4096 : i32
    %mul3A_20 = arith.muli %select_n3A, %mul3A_19 : i32
    %sub3A_21 = arith.subi %mul3A_2, %mul3A_20 : i32
    %mul3A_22 = arith.constant 65536 : i32
    %mul3A_23 = arith.muli %select_n3A, %mul3A_22 : i32
    %dma_start3A = tpu.memref_slice %arg2[%mul3A_23] : memref<262144xf32, #tpu.memory_space<hbm>> -> memref<65536xf32, #tpu.memory_space<hbm>>
    %dma_start3A_24 = tpu.memref_slice %arg2[%mul3A_23] : memref<262144xf32, #tpu.memory_space<hbm>> -> memref<65536xf32, #tpu.memory_space<hbm>>
    tpu.enqueue_dma source(%dma_start3A_24 : memref<65536xf32, #tpu.memory_space<hbm>>) target(%arg6 : memref<65536xf32, #tpu.memory_space<vmem>>) target_semaphore(%arg15 : memref<!tpu.dma_semaphore, #tpu.memory_space<semaphore_mem>>)
    %mul3A_25 = arith.constant 8 : i32
    %mul3A_26 = arith.muli %select_n3A, %mul3A_25 : i32
    %add3A_27 = arith.constant 0 : i32
    %add3A_28 = arith.addi %mul3A_26, %add3A_27 : i32
    %mul3A_29 = arith.constant 4096 : i32
    %mul3A_30 = arith.muli %add3A_28, %mul3A_29 : i32
    %add3A_31 = arith.addi %mul3A_30, %sub3A_21 : i32
    %mul3A_32 = arith.constant 8 : i32
    %mul3A_33 = arith.muli %select_n3A, %mul3A_32 : i32
    %add3A_34 = arith.constant 3 : i32
    %add3A_35 = arith.addi %mul3A_33, %add3A_34 : i32
    %add3A_36 = arith.constant 0 : i32
    %add3A_37 = arith.addi %add3A_35, %add3A_36 : i32
    %mul3A_38 = arith.constant 4096 : i32
    %mul3A_39 = arith.muli %add3A_37, %mul3A_38 : i32
    %add3A_40 = arith.addi %mul3A_39, %sub3A_21 : i32
    %dma_start3A_41 = tpu.memref_slice %arg3[%add3A_31] : memref<131072xi32, #tpu.memory_space<hbm>> -> memref<512xi32, #tpu.memory_space<hbm>>
    %dma_start3A_42 = tpu.memref_slice %arg3[%add3A_31] : memref<131072xi32, #tpu.memory_space<hbm>> -> memref<512xi32, #tpu.memory_space<hbm>>
    tpu.enqueue_dma source(%dma_start3A_42 : memref<512xi32, #tpu.memory_space<hbm>>) target(%arg7 : memref<512xi32, #tpu.memory_space<vmem>>) target_semaphore(%arg15 : memref<!tpu.dma_semaphore, #tpu.memory_space<semaphore_mem>>)
    %dma_start3A_43 = tpu.memref_slice %arg3[%add3A_40] : memref<131072xi32, #tpu.memory_space<hbm>> -> memref<512xi32, #tpu.memory_space<hbm>>
    %dma_start3A_44 = tpu.memref_slice %arg3[%add3A_40] : memref<131072xi32, #tpu.memory_space<hbm>> -> memref<512xi32, #tpu.memory_space<hbm>>
    tpu.enqueue_dma source(%dma_start3A_44 : memref<512xi32, #tpu.memory_space<hbm>>) target(%arg10 : memref<512xi32, #tpu.memory_space<vmem>>) target_semaphore(%arg15 : memref<!tpu.dma_semaphore, #tpu.memory_space<semaphore_mem>>)
    %mul3A_45 = arith.constant 3 : i32
    %mul3A_46 = arith.muli %select_n3A, %mul3A_45 : i32
    %add3A_47 = arith.constant 0 : i32
    %add3A_48 = arith.addi %mul3A_46, %add3A_47 : i32
    %mul3A_49 = arith.constant 4096 : i32
    %mul3A_50 = arith.muli %add3A_48, %mul3A_49 : i32
    %add3A_51 = arith.addi %mul3A_50, %sub3A_21 : i32
    %dma_start3A_52 = arith.constant 0 : i32
    %dma_start3A_53 = tpu.memref_slice %arg13[%dma_start3A_52] : memref<1536xf32, #tpu.memory_space<vmem>> -> memref<512xf32, #tpu.memory_space<vmem>>
    %dma_start3A_54 = tpu.memref_slice %arg4[%add3A_51] : memref<49152xf32, #tpu.memory_space<hbm>> -> memref<512xf32, #tpu.memory_space<hbm>>
    %dma_start3A_55 = arith.constant 0 : i32
    %dma_start3A_56 = tpu.memref_slice %arg13[%dma_start3A_55] : memref<1536xf32, #tpu.memory_space<vmem>> -> memref<512xf32, #tpu.memory_space<vmem>>
    %dma_start3A_57 = tpu.memref_slice %arg4[%add3A_51] : memref<49152xf32, #tpu.memory_space<hbm>> -> memref<512xf32, #tpu.memory_space<hbm>>
    tpu.enqueue_dma source(%dma_start3A_57 : memref<512xf32, #tpu.memory_space<hbm>>) target(%dma_start3A_56 : memref<512xf32, #tpu.memory_space<vmem>>) target_semaphore(%arg15 : memref<!tpu.dma_semaphore, #tpu.memory_space<semaphore_mem>>)
    %mul3A_58 = arith.constant 8 : i32
    %mul3A_59 = arith.muli %select_n3A, %mul3A_58 : i32
    %add3A_60 = arith.constant 1 : i32
    %add3A_61 = arith.addi %mul3A_59, %add3A_60 : i32
    %mul3A_62 = arith.constant 4096 : i32
    %mul3A_63 = arith.muli %add3A_61, %mul3A_62 : i32
    %add3A_64 = arith.addi %mul3A_63, %sub3A_21 : i32
    %mul3A_65 = arith.constant 8 : i32
    %mul3A_66 = arith.muli %select_n3A, %mul3A_65 : i32
    %add3A_67 = arith.constant 3 : i32
    %add3A_68 = arith.addi %mul3A_66, %add3A_67 : i32
    %add3A_69 = arith.constant 1 : i32
    %add3A_70 = arith.addi %add3A_68, %add3A_69 : i32
    %mul3A_71 = arith.constant 4096 : i32
    %mul3A_72 = arith.muli %add3A_70, %mul3A_71 : i32
    %add3A_73 = arith.addi %mul3A_72, %sub3A_21 : i32
    %dma_start3A_74 = tpu.memref_slice %arg3[%add3A_64] : memref<131072xi32, #tpu.memory_space<hbm>> -> memref<512xi32, #tpu.memory_space<hbm>>
    %dma_start3A_75 = tpu.memref_slice %arg3[%add3A_64] : memref<131072xi32, #tpu.memory_space<hbm>> -> memref<512xi32, #tpu.memory_space<hbm>>
    tpu.enqueue_dma source(%dma_start3A_75 : memref<512xi32, #tpu.memory_space<hbm>>) target(%arg8 : memref<512xi32, #tpu.memory_space<vmem>>) target_semaphore(%arg15 : memref<!tpu.dma_semaphore, #tpu.memory_space<semaphore_mem>>)
    %dma_start3A_76 = tpu.memref_slice %arg3[%add3A_73] : memref<131072xi32, #tpu.memory_space<hbm>> -> memref<512xi32, #tpu.memory_space<hbm>>
    %dma_start3A_77 = tpu.memref_slice %arg3[%add3A_73] : memref<131072xi32, #tpu.memory_space<hbm>> -> memref<512xi32, #tpu.memory_space<hbm>>
    tpu.enqueue_dma source(%dma_start3A_77 : memref<512xi32, #tpu.memory_space<hbm>>) target(%arg11 : memref<512xi32, #tpu.memory_space<vmem>>) target_semaphore(%arg15 : memref<!tpu.dma_semaphore, #tpu.memory_space<semaphore_mem>>)
    %mul3A_78 = arith.constant 3 : i32
    %mul3A_79 = arith.muli %select_n3A, %mul3A_78 : i32
    %add3A_80 = arith.constant 1 : i32
    %add3A_81 = arith.addi %mul3A_79, %add3A_80 : i32
    %mul3A_82 = arith.constant 4096 : i32
    %mul3A_83 = arith.muli %add3A_81, %mul3A_82 : i32
    %add3A_84 = arith.addi %mul3A_83, %sub3A_21 : i32
    %dma_start3A_85 = arith.constant 512 : i32
    %dma_start3A_86 = tpu.memref_slice %arg13[%dma_start3A_85] : memref<1536xf32, #tpu.memory_space<vmem>> -> memref<512xf32, #tpu.memory_space<vmem>>
    %dma_start3A_87 = tpu.memref_slice %arg4[%add3A_84] : memref<49152xf32, #tpu.memory_space<hbm>> -> memref<512xf32, #tpu.memory_space<hbm>>
    %dma_start3A_88 = arith.constant 512 : i32
    %dma_start3A_89 = tpu.memref_slice %arg13[%dma_start3A_88] : memref<1536xf32, #tpu.memory_space<vmem>> -> memref<512xf32, #tpu.memory_space<vmem>>
    %dma_start3A_90 = tpu.memref_slice %arg4[%add3A_84] : memref<49152xf32, #tpu.memory_space<hbm>> -> memref<512xf32, #tpu.memory_space<hbm>>
    tpu.enqueue_dma source(%dma_start3A_90 : memref<512xf32, #tpu.memory_space<hbm>>) target(%dma_start3A_89 : memref<512xf32, #tpu.memory_space<vmem>>) target_semaphore(%arg15 : memref<!tpu.dma_semaphore, #tpu.memory_space<semaphore_mem>>)
    %mul3A_91 = arith.constant 8 : i32
    %mul3A_92 = arith.muli %select_n3A, %mul3A_91 : i32
    %add3A_93 = arith.constant 2 : i32
    %add3A_94 = arith.addi %mul3A_92, %add3A_93 : i32
    %mul3A_95 = arith.constant 4096 : i32
    %mul3A_96 = arith.muli %add3A_94, %mul3A_95 : i32
    %add3A_97 = arith.addi %mul3A_96, %sub3A_21 : i32
    %mul3A_98 = arith.constant 8 : i32
    %mul3A_99 = arith.muli %select_n3A, %mul3A_98 : i32
    %add3A_100 = arith.constant 3 : i32
    %add3A_101 = arith.addi %mul3A_99, %add3A_100 : i32
    %add3A_102 = arith.constant 2 : i32
    %add3A_103 = arith.addi %add3A_101, %add3A_102 : i32
    %mul3A_104 = arith.constant 4096 : i32
    %mul3A_105 = arith.muli %add3A_103, %mul3A_104 : i32
    %add3A_106 = arith.addi %mul3A_105, %sub3A_21 : i32
    %dma_start3A_107 = tpu.memref_slice %arg3[%add3A_97] : memref<131072xi32, #tpu.memory_space<hbm>> -> memref<512xi32, #tpu.memory_space<hbm>>
    %dma_start3A_108 = tpu.memref_slice %arg3[%add3A_97] : memref<131072xi32, #tpu.memory_space<hbm>> -> memref<512xi32, #tpu.memory_space<hbm>>
    tpu.enqueue_dma source(%dma_start3A_108 : memref<512xi32, #tpu.memory_space<hbm>>) target(%arg9 : memref<512xi32, #tpu.memory_space<vmem>>) target_semaphore(%arg15 : memref<!tpu.dma_semaphore, #tpu.memory_space<semaphore_mem>>)
    %dma_start3A_109 = tpu.memref_slice %arg3[%add3A_106] : memref<131072xi32, #tpu.memory_space<hbm>> -> memref<512xi32, #tpu.memory_space<hbm>>
    %dma_start3A_110 = tpu.memref_slice %arg3[%add3A_106] : memref<131072xi32, #tpu.memory_space<hbm>> -> memref<512xi32, #tpu.memory_space<hbm>>
    tpu.enqueue_dma source(%dma_start3A_110 : memref<512xi32, #tpu.memory_space<hbm>>) target(%arg12 : memref<512xi32, #tpu.memory_space<vmem>>) target_semaphore(%arg15 : memref<!tpu.dma_semaphore, #tpu.memory_space<semaphore_mem>>)
    %mul3A_111 = arith.constant 3 : i32
    %mul3A_112 = arith.muli %select_n3A, %mul3A_111 : i32
    %add3A_113 = arith.constant 2 : i32
    %add3A_114 = arith.addi %mul3A_112, %add3A_113 : i32
    %mul3A_115 = arith.constant 4096 : i32
    %mul3A_116 = arith.muli %add3A_114, %mul3A_115 : i32
    %add3A_117 = arith.addi %mul3A_116, %sub3A_21 : i32
    %dma_start3A_118 = arith.constant 1024 : i32
    %dma_start3A_119 = tpu.memref_slice %arg13[%dma_start3A_118] : memref<1536xf32, #tpu.memory_space<vmem>> -> memref<512xf32, #tpu.memory_space<vmem>>
    %dma_start3A_120 = tpu.memref_slice %arg4[%add3A_117] : memref<49152xf32, #tpu.memory_space<hbm>> -> memref<512xf32, #tpu.memory_space<hbm>>
    %dma_start3A_121 = arith.constant 1024 : i32
    %dma_start3A_122 = tpu.memref_slice %arg13[%dma_start3A_121] : memref<1536xf32, #tpu.memory_space<vmem>> -> memref<512xf32, #tpu.memory_space<vmem>>
    %dma_start3A_123 = tpu.memref_slice %arg4[%add3A_117] : memref<49152xf32, #tpu.memory_space<hbm>> -> memref<512xf32, #tpu.memory_space<hbm>>
    tpu.enqueue_dma source(%dma_start3A_123 : memref<512xf32, #tpu.memory_space<hbm>>) target(%dma_start3A_122 : memref<512xf32, #tpu.memory_space<vmem>>) target_semaphore(%arg15 : memref<!tpu.dma_semaphore, #tpu.memory_space<semaphore_mem>>)
    %dma_wait3A = tpu.memref_slice %arg2[%mul3A_23] : memref<262144xf32, #tpu.memory_space<hbm>> -> memref<65536xf32, #tpu.memory_space<hbm>>
    %dma_wait3A_124 = tpu.memref_slice %arg2[%mul3A_23] : memref<262144xf32, #tpu.memory_space<hbm>> -> memref<65536xf32, #tpu.memory_space<hbm>>
    tpu.wait_dma2 semaphore(%arg15 : memref<!tpu.dma_semaphore, #tpu.memory_space<semaphore_mem>>) src(%dma_wait3A_124 : memref<65536xf32, #tpu.memory_space<hbm>>) dst(%arg6 : memref<65536xf32, #tpu.memory_space<vmem>>)
    %dma_wait3A_125 = tpu.memref_slice %arg3[%add3A_31] : memref<131072xi32, #tpu.memory_space<hbm>> -> memref<512xi32, #tpu.memory_space<hbm>>
    %dma_wait3A_126 = tpu.memref_slice %arg3[%add3A_31] : memref<131072xi32, #tpu.memory_space<hbm>> -> memref<512xi32, #tpu.memory_space<hbm>>
    tpu.wait_dma2 semaphore(%arg15 : memref<!tpu.dma_semaphore, #tpu.memory_space<semaphore_mem>>) src(%dma_wait3A_126 : memref<512xi32, #tpu.memory_space<hbm>>) dst(%arg7 : memref<512xi32, #tpu.memory_space<vmem>>)
    %dma_wait3A_127 = tpu.memref_slice %arg3[%add3A_40] : memref<131072xi32, #tpu.memory_space<hbm>> -> memref<512xi32, #tpu.memory_space<hbm>>
    %dma_wait3A_128 = tpu.memref_slice %arg3[%add3A_40] : memref<131072xi32, #tpu.memory_space<hbm>> -> memref<512xi32, #tpu.memory_space<hbm>>
    tpu.wait_dma2 semaphore(%arg15 : memref<!tpu.dma_semaphore, #tpu.memory_space<semaphore_mem>>) src(%dma_wait3A_128 : memref<512xi32, #tpu.memory_space<hbm>>) dst(%arg10 : memref<512xi32, #tpu.memory_space<vmem>>)
    %dma_wait3A_129 = arith.constant 0 : i32
    %dma_wait3A_130 = tpu.memref_slice %arg13[%dma_wait3A_129] : memref<1536xf32, #tpu.memory_space<vmem>> -> memref<512xf32, #tpu.memory_space<vmem>>
    %dma_wait3A_131 = tpu.memref_slice %arg4[%add3A_51] : memref<49152xf32, #tpu.memory_space<hbm>> -> memref<512xf32, #tpu.memory_space<hbm>>
    %dma_wait3A_132 = arith.constant 0 : i32
    %dma_wait3A_133 = tpu.memref_slice %arg13[%dma_wait3A_132] : memref<1536xf32, #tpu.memory_space<vmem>> -> memref<512xf32, #tpu.memory_space<vmem>>
    %dma_wait3A_134 = tpu.memref_slice %arg4[%add3A_51] : memref<49152xf32, #tpu.memory_space<hbm>> -> memref<512xf32, #tpu.memory_space<hbm>>
    tpu.wait_dma2 semaphore(%arg15 : memref<!tpu.dma_semaphore, #tpu.memory_space<semaphore_mem>>) src(%dma_wait3A_134 : memref<512xf32, #tpu.memory_space<hbm>>) dst(%dma_wait3A_133 : memref<512xf32, #tpu.memory_space<vmem>>)
    %dma_wait3A_135 = tpu.memref_slice %arg3[%add3A_64] : memref<131072xi32, #tpu.memory_space<hbm>> -> memref<512xi32, #tpu.memory_space<hbm>>
    %dma_wait3A_136 = tpu.memref_slice %arg3[%add3A_64] : memref<131072xi32, #tpu.memory_space<hbm>> -> memref<512xi32, #tpu.memory_space<hbm>>
    tpu.wait_dma2 semaphore(%arg15 : memref<!tpu.dma_semaphore, #tpu.memory_space<semaphore_mem>>) src(%dma_wait3A_136 : memref<512xi32, #tpu.memory_space<hbm>>) dst(%arg8 : memref<512xi32, #tpu.memory_space<vmem>>)
    %dma_wait3A_137 = tpu.memref_slice %arg3[%add3A_73] : memref<131072xi32, #tpu.memory_space<hbm>> -> memref<512xi32, #tpu.memory_space<hbm>>
    %dma_wait3A_138 = tpu.memref_slice %arg3[%add3A_73] : memref<131072xi32, #tpu.memory_space<hbm>> -> memref<512xi32, #tpu.memory_space<hbm>>
    tpu.wait_dma2 semaphore(%arg15 : memref<!tpu.dma_semaphore, #tpu.memory_space<semaphore_mem>>) src(%dma_wait3A_138 : memref<512xi32, #tpu.memory_space<hbm>>) dst(%arg11 : memref<512xi32, #tpu.memory_space<vmem>>)
    %dma_wait3A_139 = arith.constant 512 : i32
    %dma_wait3A_140 = tpu.memref_slice %arg13[%dma_wait3A_139] : memref<1536xf32, #tpu.memory_space<vmem>> -> memref<512xf32, #tpu.memory_space<vmem>>
    %dma_wait3A_141 = tpu.memref_slice %arg4[%add3A_84] : memref<49152xf32, #tpu.memory_space<hbm>> -> memref<512xf32, #tpu.memory_space<hbm>>
    %dma_wait3A_142 = arith.constant 512 : i32
    %dma_wait3A_143 = tpu.memref_slice %arg13[%dma_wait3A_142] : memref<1536xf32, #tpu.memory_space<vmem>> -> memref<512xf32, #tpu.memory_space<vmem>>
    %dma_wait3A_144 = tpu.memref_slice %arg4[%add3A_84] : memref<49152xf32, #tpu.memory_space<hbm>> -> memref<512xf32, #tpu.memory_space<hbm>>
    tpu.wait_dma2 semaphore(%arg15 : memref<!tpu.dma_semaphore, #tpu.memory_space<semaphore_mem>>) src(%dma_wait3A_144 : memref<512xf32, #tpu.memory_space<hbm>>) dst(%dma_wait3A_143 : memref<512xf32, #tpu.memory_space<vmem>>)
    %dma_wait3A_145 = tpu.memref_slice %arg3[%add3A_97] : memref<131072xi32, #tpu.memory_space<hbm>> -> memref<512xi32, #tpu.memory_space<hbm>>
    %dma_wait3A_146 = tpu.memref_slice %arg3[%add3A_97] : memref<131072xi32, #tpu.memory_space<hbm>> -> memref<512xi32, #tpu.memory_space<hbm>>
    tpu.wait_dma2 semaphore(%arg15 : memref<!tpu.dma_semaphore, #tpu.memory_space<semaphore_mem>>) src(%dma_wait3A_146 : memref<512xi32, #tpu.memory_space<hbm>>) dst(%arg9 : memref<512xi32, #tpu.memory_space<vmem>>)
    %dma_wait3A_147 = tpu.memref_slice %arg3[%add3A_106] : memref<131072xi32, #tpu.memory_space<hbm>> -> memref<512xi32, #tpu.memory_space<hbm>>
    %dma_wait3A_148 = tpu.memref_slice %arg3[%add3A_106] : memref<131072xi32, #tpu.memory_space<hbm>> -> memref<512xi32, #tpu.memory_space<hbm>>
    tpu.wait_dma2 semaphore(%arg15 : memref<!tpu.dma_semaphore, #tpu.memory_space<semaphore_mem>>) src(%dma_wait3A_148 : memref<512xi32, #tpu.memory_space<hbm>>) dst(%arg12 : memref<512xi32, #tpu.memory_space<vmem>>)
    %dma_wait3A_149 = arith.constant 1024 : i32
    %dma_wait3A_150 = tpu.memref_slice %arg13[%dma_wait3A_149] : memref<1536xf32, #tpu.memory_space<vmem>> -> memref<512xf32, #tpu.memory_space<vmem>>
    %dma_wait3A_151 = tpu.memref_slice %arg4[%add3A_117] : memref<49152xf32, #tpu.memory_space<hbm>> -> memref<512xf32, #tpu.memory_space<hbm>>
    %dma_wait3A_152 = arith.constant 1024 : i32
    %dma_wait3A_153 = tpu.memref_slice %arg13[%dma_wait3A_152] : memref<1536xf32, #tpu.memory_space<vmem>> -> memref<512xf32, #tpu.memory_space<vmem>>
    %dma_wait3A_154 = tpu.memref_slice %arg4[%add3A_117] : memref<49152xf32, #tpu.memory_space<hbm>> -> memref<512xf32, #tpu.memory_space<hbm>>
    tpu.wait_dma2 semaphore(%arg15 : memref<!tpu.dma_semaphore, #tpu.memory_space<semaphore_mem>>) src(%dma_wait3A_154 : memref<512xf32, #tpu.memory_space<hbm>>) dst(%dma_wait3A_153 : memref<512xf32, #tpu.memory_space<vmem>>)
    %scan3A = arith.constant 0 : i32
    %scan3A_155 = arith.constant 32 : i32
    %scan3A_156 = arith.addi %scan3A, %scan3A_155 : i32
    %scan3A_157 = arith.constant 1 : i32
    scf.for %scan3A_216 = %scan3A to %scan3A_156 step %scan3A_157  : i32 {
      %mul3A_217 = arith.constant 16 : i32
      %mul3A_218 = arith.muli %scan3A_216, %mul3A_217 : i32
      %add3A_219 = arith.constant 0 : i32
      %add3A_220 = arith.addi %add3A_219, %mul3A_218 : i32
      %get3A = arith.index_cast %add3A_220 : i32 to index
      %get3A_221 = tpu.vector_load %arg7[%get3A] {strides = array<i32>} : memref<512xi32, #tpu.memory_space<vmem>>, vector<16xi32>,
      %get3A_222 = arith.index_cast %add3A_220 : i32 to index
      %get3A_223 = tpu.vector_load %arg8[%get3A_222] {strides = array<i32>} : memref<512xi32, #tpu.memory_space<vmem>>, vector<16xi32>,
      %get3A_224 = arith.index_cast %add3A_220 : i32 to index
      %get3A_225 = tpu.vector_load %arg9[%get3A_224] {strides = array<i32>} : memref<512xi32, #tpu.memory_space<vmem>>, vector<16xi32>,
      %get3A_226 = arith.index_cast %add3A_220 : i32 to index
      %get3A_227 = tpu.vector_load %arg10[%get3A_226] {strides = array<i32>} : memref<512xi32, #tpu.memory_space<vmem>>, vector<16xi32>,
      %bitcast3A = vector.bitcast %get3A_227 : vector<16xi32> to vector<16xf32>
      %get3A_228 = arith.index_cast %add3A_220 : i32 to index
      %get3A_229 = tpu.vector_load %arg11[%get3A_228] {strides = array<i32>} : memref<512xi32, #tpu.memory_space<vmem>>, vector<16xi32>,
      %bitcast3A_230 = vector.bitcast %get3A_229 : vector<16xi32> to vector<16xf32>
      %get3A_231 = arith.index_cast %add3A_220 : i32 to index
      %get3A_232 = tpu.vector_load %arg12[%get3A_231] {strides = array<i32>} : memref<512xi32, #tpu.memory_space<vmem>>, vector<16xi32>,
      %bitcast3A_233 = vector.bitcast %get3A_232 : vector<16xi32> to vector<16xf32>
      %add3A_234 = arith.constant 0 : i32
      %add3A_235 = vector.broadcast %add3A_234 : i32 to vector<16xi32>
      %add3A_236 = arith.addi %get3A_221, %add3A_235 : vector<16xi32>
      %gather3A = tpu.vector_load_idx %arg6[%add3A_236] : memref<65536xf32, #tpu.memory_space<vmem>>[vector<16xi32>], vector<16xf32>,
      %add3A_237 = arith.constant 0 : i32
      %add3A_238 = vector.broadcast %add3A_237 : i32 to vector<16xi32>
      %add3A_239 = arith.addi %get3A_223, %add3A_238 : vector<16xi32>
      %gather3A_240 = tpu.vector_load_idx %arg6[%add3A_239] : memref<65536xf32, #tpu.memory_space<vmem>>[vector<16xi32>], vector<16xf32>,
      %add3A_241 = arith.constant 0 : i32
      %add3A_242 = vector.broadcast %add3A_241 : i32 to vector<16xi32>
      %add3A_243 = arith.addi %get3A_225, %add3A_242 : vector<16xi32>
      %gather3A_244 = tpu.vector_load_idx %arg6[%add3A_243] : memref<65536xf32, #tpu.memory_space<vmem>>[vector<16xi32>], vector<16xf32>,
      %mul3A_245 = arith.mulf %bitcast3A, %gather3A : vector<16xf32>
      %mul3A_246 = arith.mulf %bitcast3A_230, %gather3A_240 : vector<16xf32>
      %add3A_247 = arith.addf %mul3A_245, %mul3A_246 : vector<16xf32>
      %mul3A_248 = arith.mulf %bitcast3A_233, %gather3A_244 : vector<16xf32>
      %add3A_249 = arith.addf %add3A_247, %mul3A_248 : vector<16xf32>
      %add3A_250 = arith.constant 0 : i32
      %add3A_251 = arith.addi %add3A_250, %add3A_220 : i32
      %get3A_252 = arith.index_cast %add3A_251 : i32 to index
      %get3A_253 = tpu.vector_load %arg13[%get3A_252] {strides = array<i32>} : memref<1536xf32, #tpu.memory_space<vmem>>, vector<16xf32>,
      %sub3A_254 = arith.subf %get3A_253, %add3A_249 : vector<16xf32>
      %max3A = arith.constant -1.000000e+01 : f32
      %max3A_255 = vector.broadcast %max3A : f32 to vector<16xf32>
      %max3A_256 = arith.maximumf %sub3A_254, %max3A_255 : vector<16xf32>
      %min3A = arith.constant 1.000000e+01 : f32
      %min3A_257 = vector.broadcast %min3A : f32 to vector<16xf32>
      %min3A_258 = arith.minimumf %max3A_256, %min3A_257 : vector<16xf32>
      %add3A_259 = arith.constant 0 : i32
      %add3A_260 = arith.addi %add3A_259, %add3A_220 : i32
      %swap3A = arith.index_cast %add3A_260 : i32 to index
      %swap3A_261 = tpu.vector_load %arg14[%swap3A] {strides = array<i32>} : memref<1536xf32, #tpu.memory_space<vmem>>, vector<16xf32>,
      tpu.vector_store %arg14[%swap3A], %min3A_258 {strides = array<i32>} : memref<1536xf32, #tpu.memory_space<vmem>>, vector<16xf32>,
      %add3A_262 = arith.constant 1 : i32
      %add3A_263 = vector.broadcast %add3A_262 : i32 to vector<16xi32>
      %add3A_264 = arith.addi %get3A_221, %add3A_263 : vector<16xi32>
      %gather3A_265 = tpu.vector_load_idx %arg6[%add3A_264] : memref<65536xf32, #tpu.memory_space<vmem>>[vector<16xi32>], vector<16xf32>,
      %add3A_266 = arith.constant 1 : i32
      %add3A_267 = vector.broadcast %add3A_266 : i32 to vector<16xi32>
      %add3A_268 = arith.addi %get3A_223, %add3A_267 : vector<16xi32>
      %gather3A_269 = tpu.vector_load_idx %arg6[%add3A_268] : memref<65536xf32, #tpu.memory_space<vmem>>[vector<16xi32>], vector<16xf32>,
      %add3A_270 = arith.constant 1 : i32
      %add3A_271 = vector.broadcast %add3A_270 : i32 to vector<16xi32>
      %add3A_272 = arith.addi %get3A_225, %add3A_271 : vector<16xi32>
      %gather3A_273 = tpu.vector_load_idx %arg6[%add3A_272] : memref<65536xf32, #tpu.memory_space<vmem>>[vector<16xi32>], vector<16xf32>,
      %mul3A_274 = arith.mulf %bitcast3A, %gather3A_265 : vector<16xf32>
      %mul3A_275 = arith.mulf %bitcast3A_230, %gather3A_269 : vector<16xf32>
      %add3A_276 = arith.addf %mul3A_274, %mul3A_275 : vector<16xf32>
      %mul3A_277 = arith.mulf %bitcast3A_233, %gather3A_273 : vector<16xf32>
      %add3A_278 = arith.addf %add3A_276, %mul3A_277 : vector<16xf32>
      %add3A_279 = arith.constant 512 : i32
      %add3A_280 = arith.addi %add3A_279, %add3A_220 : i32
      %get3A_281 = arith.index_cast %add3A_280 : i32 to index
      %get3A_282 = tpu.vector_load %arg13[%get3A_281] {strides = array<i32>} : memref<1536xf32, #tpu.memory_space<vmem>>, vector<16xf32>,
      %sub3A_283 = arith.subf %get3A_282, %add3A_278 : vector<16xf32>
      %max3A_284 = arith.constant -1.000000e+01 : f32
      %max3A_285 = vector.broadcast %max3A_284 : f32 to vector<16xf32>
      %max3A_286 = arith.maximumf %sub3A_283, %max3A_285 : vector<16xf32>
      %min3A_287 = arith.constant 1.000000e+01 : f32
      %min3A_288 = vector.broadcast %min3A_287 : f32 to vector<16xf32>
      %min3A_289 = arith.minimumf %max3A_286, %min3A_288 : vector<16xf32>
      %add3A_290 = arith.constant 512 : i32
      %add3A_291 = arith.addi %add3A_290, %add3A_220 : i32
      %swap3A_292 = arith.index_cast %add3A_291 : i32 to index
      %swap3A_293 = tpu.vector_load %arg14[%swap3A_292] {strides = array<i32>} : memref<1536xf32, #tpu.memory_space<vmem>>, vector<16xf32>,
      tpu.vector_store %arg14[%swap3A_292], %min3A_289 {strides = array<i32>} : memref<1536xf32, #tpu.memory_space<vmem>>, vector<16xf32>,
      %add3A_294 = arith.constant 2 : i32
      %add3A_295 = vector.broadcast %add3A_294 : i32 to vector<16xi32>
      %add3A_296 = arith.addi %get3A_221, %add3A_295 : vector<16xi32>
      %gather3A_297 = tpu.vector_load_idx %arg6[%add3A_296] : memref<65536xf32, #tpu.memory_space<vmem>>[vector<16xi32>], vector<16xf32>,
      %add3A_298 = arith.constant 2 : i32
      %add3A_299 = vector.broadcast %add3A_298 : i32 to vector<16xi32>
      %add3A_300 = arith.addi %get3A_223, %add3A_299 : vector<16xi32>
      %gather3A_301 = tpu.vector_load_idx %arg6[%add3A_300] : memref<65536xf32, #tpu.memory_space<vmem>>[vector<16xi32>], vector<16xf32>,
      %add3A_302 = arith.constant 2 : i32
      %add3A_303 = vector.broadcast %add3A_302 : i32 to vector<16xi32>
      %add3A_304 = arith.addi %get3A_225, %add3A_303 : vector<16xi32>
      %gather3A_305 = tpu.vector_load_idx %arg6[%add3A_304] : memref<65536xf32, #tpu.memory_space<vmem>>[vector<16xi32>], vector<16xf32>,
      %mul3A_306 = arith.mulf %bitcast3A, %gather3A_297 : vector<16xf32>
      %mul3A_307 = arith.mulf %bitcast3A_230, %gather3A_301 : vector<16xf32>
      %add3A_308 = arith.addf %mul3A_306, %mul3A_307 : vector<16xf32>
      %mul3A_309 = arith.mulf %bitcast3A_233, %gather3A_305 : vector<16xf32>
      %add3A_310 = arith.addf %add3A_308, %mul3A_309 : vector<16xf32>
      %add3A_311 = arith.constant 1024 : i32
      %add3A_312 = arith.addi %add3A_311, %add3A_220 : i32
      %get3A_313 = arith.index_cast %add3A_312 : i32 to index
      %get3A_314 = tpu.vector_load %arg13[%get3A_313] {strides = array<i32>} : memref<1536xf32, #tpu.memory_space<vmem>>, vector<16xf32>,
      %sub3A_315 = arith.subf %get3A_314, %add3A_310 : vector<16xf32>
      %max3A_316 = arith.constant -1.000000e+01 : f32
      %max3A_317 = vector.broadcast %max3A_316 : f32 to vector<16xf32>
      %max3A_318 = arith.maximumf %sub3A_315, %max3A_317 : vector<16xf32>
      %min3A_319 = arith.constant 1.000000e+01 : f32
      %min3A_320 = vector.broadcast %min3A_319 : f32 to vector<16xf32>
      %min3A_321 = arith.minimumf %max3A_318, %min3A_320 : vector<16xf32>
      %add3A_322 = arith.constant 1024 : i32
      %add3A_323 = arith.addi %add3A_322, %add3A_220 : i32
      %swap3A_324 = arith.index_cast %add3A_323 : i32 to index
      %swap3A_325 = tpu.vector_load %arg14[%swap3A_324] {strides = array<i32>} : memref<1536xf32, #tpu.memory_space<vmem>>, vector<16xf32>,
      tpu.vector_store %arg14[%swap3A_324], %min3A_321 {strides = array<i32>} : memref<1536xf32, #tpu.memory_space<vmem>>, vector<16xf32>,
    }
    %scan3A_158 = arith.constant 32 : i32
    %mul3A_159 = arith.constant 3 : i32
    %mul3A_160 = arith.muli %select_n3A, %mul3A_159 : i32
    %add3A_161 = arith.constant 0 : i32
    %add3A_162 = arith.addi %mul3A_160, %add3A_161 : i32
    %mul3A_163 = arith.constant 4096 : i32
    %mul3A_164 = arith.muli %add3A_162, %mul3A_163 : i32
    %add3A_165 = arith.addi %mul3A_164, %sub3A_21 : i32
    %dma_start3A_166 = arith.constant 0 : i32
    %dma_start3A_167 = tpu.memref_slice %arg14[%dma_start3A_166] : memref<1536xf32, #tpu.memory_space<vmem>> -> memref<512xf32, #tpu.memory_space<vmem>>
    %dma_start3A_168 = tpu.memref_slice %arg5[%add3A_165] : memref<49152xf32, #tpu.memory_space<hbm>> -> memref<512xf32, #tpu.memory_space<hbm>>
    %dma_start3A_169 = tpu.memref_slice %arg5[%add3A_165] : memref<49152xf32, #tpu.memory_space<hbm>> -> memref<512xf32, #tpu.memory_space<hbm>>
    %dma_start3A_170 = arith.constant 0 : i32
    %dma_start3A_171 = tpu.memref_slice %arg14[%dma_start3A_170] : memref<1536xf32, #tpu.memory_space<vmem>> -> memref<512xf32, #tpu.memory_space<vmem>>
    tpu.enqueue_dma source(%dma_start3A_171 : memref<512xf32, #tpu.memory_space<vmem>>) target(%dma_start3A_169 : memref<512xf32, #tpu.memory_space<hbm>>) target_semaphore(%arg15 : memref<!tpu.dma_semaphore, #tpu.memory_space<semaphore_mem>>)
    %mul3A_172 = arith.constant 3 : i32
    %mul3A_173 = arith.muli %select_n3A, %mul3A_172 : i32
    %add3A_174 = arith.constant 1 : i32
    %add3A_175 = arith.addi %mul3A_173, %add3A_174 : i32
    %mul3A_176 = arith.constant 4096 : i32
    %mul3A_177 = arith.muli %add3A_175, %mul3A_176 : i32
    %add3A_178 = arith.addi %mul3A_177, %sub3A_21 : i32
    %dma_start3A_179 = arith.constant 512 : i32
    %dma_start3A_180 = tpu.memref_slice %arg14[%dma_start3A_179] : memref<1536xf32, #tpu.memory_space<vmem>> -> memref<512xf32, #tpu.memory_space<vmem>>
    %dma_start3A_181 = tpu.memref_slice %arg5[%add3A_178] : memref<49152xf32, #tpu.memory_space<hbm>> -> memref<512xf32, #tpu.memory_space<hbm>>
    %dma_start3A_182 = tpu.memref_slice %arg5[%add3A_178] : memref<49152xf32, #tpu.memory_space<hbm>> -> memref<512xf32, #tpu.memory_space<hbm>>
    %dma_start3A_183 = arith.constant 512 : i32
    %dma_start3A_184 = tpu.memref_slice %arg14[%dma_start3A_183] : memref<1536xf32, #tpu.memory_space<vmem>> -> memref<512xf32, #tpu.memory_space<vmem>>
    tpu.enqueue_dma source(%dma_start3A_184 : memref<512xf32, #tpu.memory_space<vmem>>) target(%dma_start3A_182 : memref<512xf32, #tpu.memory_space<hbm>>) target_semaphore(%arg15 : memref<!tpu.dma_semaphore, #tpu.memory_space<semaphore_mem>>)
    %mul3A_185 = arith.constant 3 : i32
    %mul3A_186 = arith.muli %select_n3A, %mul3A_185 : i32
    %add3A_187 = arith.constant 2 : i32
    %add3A_188 = arith.addi %mul3A_186, %add3A_187 : i32
    %mul3A_189 = arith.constant 4096 : i32
    %mul3A_190 = arith.muli %add3A_188, %mul3A_189 : i32
    %add3A_191 = arith.addi %mul3A_190, %sub3A_21 : i32
    %dma_start3A_192 = arith.constant 1024 : i32
    %dma_start3A_193 = tpu.memref_slice %arg14[%dma_start3A_192] : memref<1536xf32, #tpu.memory_space<vmem>> -> memref<512xf32, #tpu.memory_space<vmem>>
    %dma_start3A_194 = tpu.memref_slice %arg5[%add3A_191] : memref<49152xf32, #tpu.memory_space<hbm>> -> memref<512xf32, #tpu.memory_space<hbm>>
    %dma_start3A_195 = tpu.memref_slice %arg5[%add3A_191] : memref<49152xf32, #tpu.memory_space<hbm>> -> memref<512xf32, #tpu.memory_space<hbm>>
    %dma_start3A_196 = arith.constant 1024 : i32
    %dma_start3A_197 = tpu.memref_slice %arg14[%dma_start3A_196] : memref<1536xf32, #tpu.memory_space<vmem>> -> memref<512xf32, #tpu.memory_space<vmem>>
    tpu.enqueue_dma source(%dma_start3A_197 : memref<512xf32, #tpu.memory_space<vmem>>) target(%dma_start3A_195 : memref<512xf32, #tpu.memory_space<hbm>>) target_semaphore(%arg15 : memref<!tpu.dma_semaphore, #tpu.memory_space<semaphore_mem>>)
    %dma_wait3A_198 = arith.constant 0 : i32
    %dma_wait3A_199 = tpu.memref_slice %arg14[%dma_wait3A_198] : memref<1536xf32, #tpu.memory_space<vmem>> -> memref<512xf32, #tpu.memory_space<vmem>>
    %dma_wait3A_200 = tpu.memref_slice %arg5[%add3A_165] : memref<49152xf32, #tpu.memory_space<hbm>> -> memref<512xf32, #tpu.memory_space<hbm>>
    %dma_wait3A_201 = tpu.memref_slice %arg5[%add3A_165] : memref<49152xf32, #tpu.memory_space<hbm>> -> memref<512xf32, #tpu.memory_space<hbm>>
    %dma_wait3A_202 = arith.constant 0 : i32
    %dma_wait3A_203 = tpu.memref_slice %arg14[%dma_wait3A_202] : memref<1536xf32, #tpu.memory_space<vmem>> -> memref<512xf32, #tpu.memory_space<vmem>>
    tpu.wait_dma2 semaphore(%arg15 : memref<!tpu.dma_semaphore, #tpu.memory_space<semaphore_mem>>) src(%dma_wait3A_203 : memref<512xf32, #tpu.memory_space<vmem>>) dst(%dma_wait3A_201 : memref<512xf32, #tpu.memory_space<hbm>>)
    %dma_wait3A_204 = arith.constant 512 : i32
    %dma_wait3A_205 = tpu.memref_slice %arg14[%dma_wait3A_204] : memref<1536xf32, #tpu.memory_space<vmem>> -> memref<512xf32, #tpu.memory_space<vmem>>
    %dma_wait3A_206 = tpu.memref_slice %arg5[%add3A_178] : memref<49152xf32, #tpu.memory_space<hbm>> -> memref<512xf32, #tpu.memory_space<hbm>>
    %dma_wait3A_207 = tpu.memref_slice %arg5[%add3A_178] : memref<49152xf32, #tpu.memory_space<hbm>> -> memref<512xf32, #tpu.memory_space<hbm>>
    %dma_wait3A_208 = arith.constant 512 : i32
    %dma_wait3A_209 = tpu.memref_slice %arg14[%dma_wait3A_208] : memref<1536xf32, #tpu.memory_space<vmem>> -> memref<512xf32, #tpu.memory_space<vmem>>
    tpu.wait_dma2 semaphore(%arg15 : memref<!tpu.dma_semaphore, #tpu.memory_space<semaphore_mem>>) src(%dma_wait3A_209 : memref<512xf32, #tpu.memory_space<vmem>>) dst(%dma_wait3A_207 : memref<512xf32, #tpu.memory_space<hbm>>)
    %dma_wait3A_210 = arith.constant 1024 : i32
    %dma_wait3A_211 = tpu.memref_slice %arg14[%dma_wait3A_210] : memref<1536xf32, #tpu.memory_space<vmem>> -> memref<512xf32, #tpu.memory_space<vmem>>
    %dma_wait3A_212 = tpu.memref_slice %arg5[%add3A_191] : memref<49152xf32, #tpu.memory_space<hbm>> -> memref<512xf32, #tpu.memory_space<hbm>>
    %dma_wait3A_213 = tpu.memref_slice %arg5[%add3A_191] : memref<49152xf32, #tpu.memory_space<hbm>> -> memref<512xf32, #tpu.memory_space<hbm>>
    %dma_wait3A_214 = arith.constant 1024 : i32
    %dma_wait3A_215 = tpu.memref_slice %arg14[%dma_wait3A_214] : memref<1536xf32, #tpu.memory_space<vmem>> -> memref<512xf32, #tpu.memory_space<vmem>>
    tpu.wait_dma2 semaphore(%arg15 : memref<!tpu.dma_semaphore, #tpu.memory_space<semaphore_mem>>) src(%dma_wait3A_215 : memref<512xf32, #tpu.memory_space<vmem>>) dst(%dma_wait3A_213 : memref<512xf32, #tpu.memory_space<hbm>>)
    return
  }
}

module attributes {stable_mosaic.version = 14 : i64} {
  func.func @_knn_body(%arg0: i32, %arg1: i32, %arg2: memref<1x3x4096xf32, #tpu.memory_space<vmem>>, %arg3: memref<1x3x4096xf32, #tpu.memory_space<vmem>>, %arg4: memref<1x512x3xf32, #tpu.memory_space<vmem>>, %arg5: memref<1x8x512xi32, #tpu.memory_space<vmem>>) attributes {dimension_semantics = [#tpu.dimension_semantics<parallel>, #tpu.dimension_semantics<arbitrary>], iteration_bounds = array<i64: 4, 8>, scalar_prefetch = 0 : i64, scratch_operands = 0 : i64, tpu.core_type = #tpu.core_type<tc>, window_params = [{transform_indices = @transform_0, window_bounds = array<i64: 1, 3, 4096>}, {transform_indices = @transform_1, window_bounds = array<i64: 1, 3, 4096>}, {transform_indices = @transform_2, window_bounds = array<i64: 1, 512, 3>}, {transform_indices = @transform_3, window_bounds = array<i64: 1, 8, 512>}]} {
    %get3A = arith.constant 0 : index
    %get3A_0 = arith.constant 0 : index
    %get3A_1 = arith.constant 0 : index
    %get3A_2 = vector.load %arg2[%get3A, %get3A_0, %get3A_1] : memref<1x3x4096xf32, #tpu.memory_space<vmem>>, vector<1x3x4096xf32>
    %get3A_3 = vector.shape_cast %get3A_2 : vector<1x3x4096xf32> to vector<3x4096xf32>
    %get3A_4 = arith.constant 0 : index
    %get3A_5 = arith.constant 0 : index
    %get3A_6 = arith.constant 0 : index
    %get3A_7 = vector.load %arg3[%get3A_4, %get3A_5, %get3A_6] : memref<1x3x4096xf32, #tpu.memory_space<vmem>>, vector<1x3x4096xf32>
    %get3A_8 = vector.shape_cast %get3A_7 : vector<1x3x4096xf32> to vector<3x4096xf32>
    %add3A = arith.addf %get3A_3, %get3A_8 : vector<3x4096xf32>
    %get3A_9 = arith.constant 0 : index
    %get3A_10 = arith.constant 0 : index
    %get3A_11 = arith.constant 0 : index
    %get3A_12 = vector.load %arg4[%get3A_9, %get3A_10, %get3A_11] : memref<1x512x3xf32, #tpu.memory_space<vmem>>, vector<1x512x3xf32>
    %get3A_13 = vector.shape_cast %get3A_12 : vector<1x512x3xf32> to vector<512x3xf32>
    %slice3A = vector.extract_strided_slice %get3A_13 {offsets = [0, 0], sizes = [512, 1], strides = [1, 1]} : vector<512x3xf32> to vector<512x1xf32>
    %slice3A_14 = vector.extract_strided_slice %add3A {offsets = [0, 0], sizes = [1, 4096], strides = [1, 1]} : vector<3x4096xf32> to vector<1x4096xf32>
    %sub3A = vector.broadcast %slice3A : vector<512x1xf32> to vector<512x4096xf32>
    %sub3A_15 = vector.broadcast %slice3A_14 : vector<1x4096xf32> to vector<512x4096xf32>
    %sub3A_16 = arith.subf %sub3A, %sub3A_15 : vector<512x4096xf32>
    %slice3A_17 = vector.extract_strided_slice %get3A_13 {offsets = [0, 1], sizes = [512, 1], strides = [1, 1]} : vector<512x3xf32> to vector<512x1xf32>
    %slice3A_18 = vector.extract_strided_slice %add3A {offsets = [1, 0], sizes = [1, 4096], strides = [1, 1]} : vector<3x4096xf32> to vector<1x4096xf32>
    %sub3A_19 = vector.broadcast %slice3A_17 : vector<512x1xf32> to vector<512x4096xf32>
    %sub3A_20 = vector.broadcast %slice3A_18 : vector<1x4096xf32> to vector<512x4096xf32>
    %sub3A_21 = arith.subf %sub3A_19, %sub3A_20 : vector<512x4096xf32>
    %slice3A_22 = vector.extract_strided_slice %get3A_13 {offsets = [0, 2], sizes = [512, 1], strides = [1, 1]} : vector<512x3xf32> to vector<512x1xf32>
    %slice3A_23 = vector.extract_strided_slice %add3A {offsets = [2, 0], sizes = [1, 4096], strides = [1, 1]} : vector<3x4096xf32> to vector<1x4096xf32>
    %sub3A_24 = vector.broadcast %slice3A_22 : vector<512x1xf32> to vector<512x4096xf32>
    %sub3A_25 = vector.broadcast %slice3A_23 : vector<1x4096xf32> to vector<512x4096xf32>
    %sub3A_26 = arith.subf %sub3A_24, %sub3A_25 : vector<512x4096xf32>
    %mul3A = arith.mulf %sub3A_16, %sub3A_16 : vector<512x4096xf32>
    %mul3A_27 = arith.mulf %sub3A_21, %sub3A_21 : vector<512x4096xf32>
    %add3A_28 = arith.addf %mul3A, %mul3A_27 : vector<512x4096xf32>
    %mul3A_29 = arith.mulf %sub3A_26, %sub3A_26 : vector<512x4096xf32>
    %add3A_30 = arith.addf %add3A_28, %mul3A_29 : vector<512x4096xf32>
    %mul3A_31 = arith.mulf %get3A_13, %get3A_13 : vector<512x3xf32>
    %reduce_sum3A = arith.constant dense<0.000000e+00> : vector<512xf32>
    %reduce_sum3A_32 = vector.multi_reduction <add>, %mul3A_31, %reduce_sum3A [1] : vector<512x3xf32> to vector<512xf32>
    %broadcast_in_dim3A = vector.shape_cast %reduce_sum3A_32 : vector<512xf32> to vector<512x1xf32>
    %slice3A_33 = vector.extract_strided_slice %add3A {offsets = [0, 0], sizes = [1, 4096], strides = [1, 1]} : vector<3x4096xf32> to vector<1x4096xf32>
    %slice3A_34 = vector.extract_strided_slice %add3A {offsets = [0, 0], sizes = [1, 4096], strides = [1, 1]} : vector<3x4096xf32> to vector<1x4096xf32>
    %mul3A_35 = arith.mulf %slice3A_33, %slice3A_34 : vector<1x4096xf32>
    %slice3A_36 = vector.extract_strided_slice %add3A {offsets = [1, 0], sizes = [1, 4096], strides = [1, 1]} : vector<3x4096xf32> to vector<1x4096xf32>
    %slice3A_37 = vector.extract_strided_slice %add3A {offsets = [1, 0], sizes = [1, 4096], strides = [1, 1]} : vector<3x4096xf32> to vector<1x4096xf32>
    %mul3A_38 = arith.mulf %slice3A_36, %slice3A_37 : vector<1x4096xf32>
    %add3A_39 = arith.addf %mul3A_35, %mul3A_38 : vector<1x4096xf32>
    %slice3A_40 = vector.extract_strided_slice %add3A {offsets = [2, 0], sizes = [1, 4096], strides = [1, 1]} : vector<3x4096xf32> to vector<1x4096xf32>
    %slice3A_41 = vector.extract_strided_slice %add3A {offsets = [2, 0], sizes = [1, 4096], strides = [1, 1]} : vector<3x4096xf32> to vector<1x4096xf32>
    %mul3A_42 = arith.mulf %slice3A_40, %slice3A_41 : vector<1x4096xf32>
    %add3A_43 = arith.addf %add3A_39, %mul3A_42 : vector<1x4096xf32>
    %mul3A_44 = arith.constant -2.000000e+00 : f32
    %mul3A_45 = vector.broadcast %mul3A_44 : f32 to vector<3x4096xf32>
    %mul3A_46 = arith.mulf %mul3A_45, %add3A : vector<3x4096xf32>
    %dot_general3A = arith.constant dense<0.000000e+00> : vector<512x4096xf32>
    %dot_general3A_47 = tpu.matmul %get3A_13, %mul3A_46, %dot_general3A {dimension_numbers = #tpu.dot_dimension_numbers<[1], [0], [0], [1], [0, 0, 1, 1], [], []>, transpose_lhs_hint = false} : vector<512x3xf32>, vector<3x4096xf32>, vector<512x4096xf32> -> vector<512x4096xf32>
    %add3A_48 = vector.broadcast %broadcast_in_dim3A : vector<512x1xf32> to vector<512x4096xf32>
    %add3A_49 = vector.broadcast %add3A_43 : vector<1x4096xf32> to vector<512x4096xf32>
    %add3A_50 = arith.addf %add3A_48, %add3A_49 : vector<512x4096xf32>
    %add3A_51 = arith.addf %add3A_50, %dot_general3A_47 : vector<512x4096xf32>
    %iota3A = tpu.iota {dimensions = array<i32: 1>} : vector<512x4096xi32>
    %convert_element_type3A = arith.sitofp %iota3A : vector<512x4096xi32> to vector<512x4096xf32>
    %reduce_min3A = arith.constant dense<0x7F800000> : vector<512xf32>
    %reduce_min3A_52 = vector.multi_reduction <minimumf>, %add3A_51, %reduce_min3A [1] : vector<512x4096xf32> to vector<512xf32>
    %broadcast_in_dim3A_53 = vector.shape_cast %reduce_min3A_52 : vector<512xf32> to vector<512x1xf32>
    %eq3A = vector.broadcast %broadcast_in_dim3A_53 : vector<512x1xf32> to vector<512x4096xf32>
    %eq3A_54 = arith.cmpf oeq, %add3A_51, %eq3A : vector<512x4096xf32>
    %jit3A = arith.constant 3.000000e+38 : f32
    %broadcast_in_dim3A_55 = vector.broadcast %jit3A : f32 to vector<512x4096xf32>
    %select_n3A = arith.select %eq3A_54, %convert_element_type3A, %broadcast_in_dim3A_55 : vector<512x4096xi1>, vector<512x4096xf32>
    %reduce_min3A_56 = arith.constant dense<0x7F800000> : vector<512xf32>
    %reduce_min3A_57 = vector.multi_reduction <minimumf>, %select_n3A, %reduce_min3A_56 [1] : vector<512x4096xf32> to vector<512xf32>
    %broadcast_in_dim3A_58 = vector.shape_cast %reduce_min3A_57 : vector<512xf32> to vector<512x1xf32>
    %jit3A_59 = arith.constant 3.000000e+38 : f32
    %broadcast_in_dim3A_60 = vector.broadcast %jit3A_59 : f32 to vector<512x4096xf32>
    %select_n3A_61 = arith.select %eq3A_54, %add3A_30, %broadcast_in_dim3A_60 : vector<512x4096xi1>, vector<512x4096xf32>
    %reduce_min3A_62 = arith.constant dense<0x7F800000> : vector<512xf32>
    %reduce_min3A_63 = vector.multi_reduction <minimumf>, %select_n3A_61, %reduce_min3A_62 [1] : vector<512x4096xf32> to vector<512xf32>
    %broadcast_in_dim3A_64 = vector.shape_cast %reduce_min3A_63 : vector<512xf32> to vector<512x1xf32>
    %convert_element_type3A_65 = arith.fptosi %broadcast_in_dim3A_58 : vector<512x1xf32> to vector<512x1xi32>
    %jit3A_66 = arith.constant 3.000000e+38 : f32
    %broadcast_in_dim3A_67 = vector.broadcast %jit3A_66 : f32 to vector<512x4096xf32>
    %select_n3A_68 = arith.select %eq3A_54, %broadcast_in_dim3A_67, %add3A_51 : vector<512x4096xi1>, vector<512x4096xf32>
    %reduce_min3A_69 = arith.constant dense<0x7F800000> : vector<512xf32>
    %reduce_min3A_70 = vector.multi_reduction <minimumf>, %select_n3A_68, %reduce_min3A_69 [1] : vector<512x4096xf32> to vector<512xf32>
    %broadcast_in_dim3A_71 = vector.shape_cast %reduce_min3A_70 : vector<512xf32> to vector<512x1xf32>
    %eq3A_72 = vector.broadcast %broadcast_in_dim3A_71 : vector<512x1xf32> to vector<512x4096xf32>
    %eq3A_73 = arith.cmpf oeq, %select_n3A_68, %eq3A_72 : vector<512x4096xf32>
    %jit3A_74 = arith.constant 3.000000e+38 : f32
    %broadcast_in_dim3A_75 = vector.broadcast %jit3A_74 : f32 to vector<512x4096xf32>
    %select_n3A_76 = arith.select %eq3A_73, %convert_element_type3A, %broadcast_in_dim3A_75 : vector<512x4096xi1>, vector<512x4096xf32>
    %reduce_min3A_77 = arith.constant dense<0x7F800000> : vector<512xf32>
    %reduce_min3A_78 = vector.multi_reduction <minimumf>, %select_n3A_76, %reduce_min3A_77 [1] : vector<512x4096xf32> to vector<512xf32>
    %broadcast_in_dim3A_79 = vector.shape_cast %reduce_min3A_78 : vector<512xf32> to vector<512x1xf32>
    %jit3A_80 = arith.constant 3.000000e+38 : f32
    %broadcast_in_dim3A_81 = vector.broadcast %jit3A_80 : f32 to vector<512x4096xf32>
    %select_n3A_82 = arith.select %eq3A_73, %add3A_30, %broadcast_in_dim3A_81 : vector<512x4096xi1>, vector<512x4096xf32>
    %reduce_min3A_83 = arith.constant dense<0x7F800000> : vector<512xf32>
    %reduce_min3A_84 = vector.multi_reduction <minimumf>, %select_n3A_82, %reduce_min3A_83 [1] : vector<512x4096xf32> to vector<512xf32>
    %broadcast_in_dim3A_85 = vector.shape_cast %reduce_min3A_84 : vector<512xf32> to vector<512x1xf32>
    %convert_element_type3A_86 = arith.fptosi %broadcast_in_dim3A_79 : vector<512x1xf32> to vector<512x1xi32>
    %jit3A_87 = arith.constant 3.000000e+38 : f32
    %broadcast_in_dim3A_88 = vector.broadcast %jit3A_87 : f32 to vector<512x4096xf32>
    %select_n3A_89 = arith.select %eq3A_73, %broadcast_in_dim3A_88, %select_n3A_68 : vector<512x4096xi1>, vector<512x4096xf32>
    %reduce_min3A_90 = arith.constant dense<0x7F800000> : vector<512xf32>
    %reduce_min3A_91 = vector.multi_reduction <minimumf>, %select_n3A_89, %reduce_min3A_90 [1] : vector<512x4096xf32> to vector<512xf32>
    %broadcast_in_dim3A_92 = vector.shape_cast %reduce_min3A_91 : vector<512xf32> to vector<512x1xf32>
    %eq3A_93 = vector.broadcast %broadcast_in_dim3A_92 : vector<512x1xf32> to vector<512x4096xf32>
    %eq3A_94 = arith.cmpf oeq, %select_n3A_89, %eq3A_93 : vector<512x4096xf32>
    %jit3A_95 = arith.constant 3.000000e+38 : f32
    %broadcast_in_dim3A_96 = vector.broadcast %jit3A_95 : f32 to vector<512x4096xf32>
    %select_n3A_97 = arith.select %eq3A_94, %convert_element_type3A, %broadcast_in_dim3A_96 : vector<512x4096xi1>, vector<512x4096xf32>
    %reduce_min3A_98 = arith.constant dense<0x7F800000> : vector<512xf32>
    %reduce_min3A_99 = vector.multi_reduction <minimumf>, %select_n3A_97, %reduce_min3A_98 [1] : vector<512x4096xf32> to vector<512xf32>
    %broadcast_in_dim3A_100 = vector.shape_cast %reduce_min3A_99 : vector<512xf32> to vector<512x1xf32>
    %jit3A_101 = arith.constant 3.000000e+38 : f32
    %broadcast_in_dim3A_102 = vector.broadcast %jit3A_101 : f32 to vector<512x4096xf32>
    %select_n3A_103 = arith.select %eq3A_94, %add3A_30, %broadcast_in_dim3A_102 : vector<512x4096xi1>, vector<512x4096xf32>
    %reduce_min3A_104 = arith.constant dense<0x7F800000> : vector<512xf32>
    %reduce_min3A_105 = vector.multi_reduction <minimumf>, %select_n3A_103, %reduce_min3A_104 [1] : vector<512x4096xf32> to vector<512xf32>
    %broadcast_in_dim3A_106 = vector.shape_cast %reduce_min3A_105 : vector<512xf32> to vector<512x1xf32>
    %convert_element_type3A_107 = arith.fptosi %broadcast_in_dim3A_100 : vector<512x1xf32> to vector<512x1xi32>
    %sqrt3A = math.sqrt %broadcast_in_dim3A_64 : vector<512x1xf32>
    %max3A = arith.constant 1.000000e-10 : f32
    %max3A_108 = vector.broadcast %max3A : f32 to vector<512x1xf32>
    %max3A_109 = arith.maximumf %sqrt3A, %max3A_108 : vector<512x1xf32>
    %div3A = arith.constant 1.000000e+00 : f32
    %div3A_110 = vector.broadcast %div3A : f32 to vector<512x1xf32>
    %div3A_111 = arith.divf %div3A_110, %max3A_109 : vector<512x1xf32>
    %sqrt3A_112 = math.sqrt %broadcast_in_dim3A_85 : vector<512x1xf32>
    %max3A_113 = arith.constant 1.000000e-10 : f32
    %max3A_114 = vector.broadcast %max3A_113 : f32 to vector<512x1xf32>
    %max3A_115 = arith.maximumf %sqrt3A_112, %max3A_114 : vector<512x1xf32>
    %div3A_116 = arith.constant 1.000000e+00 : f32
    %div3A_117 = vector.broadcast %div3A_116 : f32 to vector<512x1xf32>
    %div3A_118 = arith.divf %div3A_117, %max3A_115 : vector<512x1xf32>
    %sqrt3A_119 = math.sqrt %broadcast_in_dim3A_106 : vector<512x1xf32>
    %max3A_120 = arith.constant 1.000000e-10 : f32
    %max3A_121 = vector.broadcast %max3A_120 : f32 to vector<512x1xf32>
    %max3A_122 = arith.maximumf %sqrt3A_119, %max3A_121 : vector<512x1xf32>
    %div3A_123 = arith.constant 1.000000e+00 : f32
    %div3A_124 = vector.broadcast %div3A_123 : f32 to vector<512x1xf32>
    %div3A_125 = arith.divf %div3A_124, %max3A_122 : vector<512x1xf32>
    %add3A_126 = arith.addf %div3A_111, %div3A_118 : vector<512x1xf32>
    %add3A_127 = arith.addf %add3A_126, %div3A_125 : vector<512x1xf32>
    %concatenate3A = tpu.concatenate %convert_element_type3A_65, %convert_element_type3A_86, %convert_element_type3A_107 in 1 : vector<512x1xi32>, vector<512x1xi32>, vector<512x1xi32> -> vector<512x3xi32>
    %mul3A_128 = arith.constant 16 : i32
    %mul3A_129 = vector.broadcast %mul3A_128 : i32 to vector<512x3xi32>
    %mul3A_130 = arith.muli %concatenate3A, %mul3A_129 : vector<512x3xi32>
    %div3A_131 = arith.divf %div3A_111, %add3A_127 : vector<512x1xf32>
    %div3A_132 = arith.divf %div3A_118, %add3A_127 : vector<512x1xf32>
    %div3A_133 = arith.divf %div3A_125, %add3A_127 : vector<512x1xf32>
    %concatenate3A_134 = tpu.concatenate %div3A_131, %div3A_132, %div3A_133 in 1 : vector<512x1xf32>, vector<512x1xf32>, vector<512x1xf32> -> vector<512x3xf32>
    %bitcast_convert_type3A = tpu.bitcast %concatenate3A_134 : vector<512x3xf32> -> vector<512x3xi32>
    %broadcast_in_dim3A_135 = arith.constant 0 : i32
    %broadcast_in_dim3A_136 = vector.broadcast %broadcast_in_dim3A_135 : i32 to vector<512x2xi32>
    %concatenate3A_137 = tpu.concatenate %mul3A_130, %bitcast_convert_type3A, %broadcast_in_dim3A_136 in 1 : vector<512x3xi32>, vector<512x3xi32>, vector<512x2xi32> -> vector<512x8xi32>
    %transpose3A = tpu.transpose %concatenate3A_137, [1, 0] : vector<512x8xi32> -> vector<8x512xi32>
    %swap3A = arith.constant 0 : index
    %swap3A_138 = arith.constant 0 : index
    %swap3A_139 = arith.constant 0 : index
    %swap3A_140 = vector.load %arg5[%swap3A, %swap3A_138, %swap3A_139] : memref<1x8x512xi32, #tpu.memory_space<vmem>>, vector<1x8x512xi32>
    %swap3A_141 = vector.shape_cast %swap3A_140 : vector<1x8x512xi32> to vector<8x512xi32>
    %swap3A_142 = vector.shape_cast %transpose3A : vector<8x512xi32> to vector<1x8x512xi32>
    tpu.vector_store %arg5[%swap3A, %swap3A_138, %swap3A_139], %swap3A_142 {strides = array<i32>} : memref<1x8x512xi32, #tpu.memory_space<vmem>>, vector<1x8x512xi32>,
    return
  }
  func.func @transform_0(%arg0: i32, %arg1: i32) -> (i32, i32, i32) {
    %c0_i32 = arith.constant 0 : i32
    %c0_i32_0 = arith.constant 0 : i32
    %c0_i32_1 = arith.constant 0 : i32
    return %arg0, %c0_i32, %c0_i32_0 : i32, i32, i32
  }
  func.func @transform_1(%arg0: i32, %arg1: i32) -> (i32, i32, i32) {
    %c0_i32 = arith.constant 0 : i32
    %c0_i32_0 = arith.constant 0 : i32
    %c0_i32_1 = arith.constant 0 : i32
    return %arg0, %c0_i32, %c0_i32_0 : i32, i32, i32
  }
  func.func @transform_2(%arg0: i32, %arg1: i32) -> (i32, i32, i32) {
    %c0_i32 = arith.constant 0 : i32
    %c0_i32_0 = arith.constant 0 : i32
    return %arg0, %arg1, %c0_i32 : i32, i32, i32
  }
  func.func @transform_3(%arg0: i32, %arg1: i32) -> (i32, i32, i32) {
    %c0_i32 = arith.constant 0 : i32
    %c0_i32_0 = arith.constant 0 : i32
    return %arg0, %c0_i32, %arg1 : i32, i32, i32
  }
}

</mosaic_0001>

<sc_bundles>
// kernel: kernel.4.cloned.1.call-start
scs
__scs_entry_jumppad:
0x0: {  	(pc) =	sbr.rel $0x88, $3  }
0x1: {  	(tag) =	ssettag $0x0;
	lr =	simm.s32 $0x1  }
0x2: {  	[smem:$0x3F9E] =	sst lr;
	_ =	strace $0xD0000000  }
0x3: {  	_ = 	snop  }
0x4: {  	_ = 	snop  }
0x5: {  	_ = 	snop  }
0x6: {  	_ = 	snop  }
0x7: {  	_ = 	snop  }
__scs_overlays_trampoline_lowered:
0x8: {  	[smem:$0x3FAD] =	sst s0  }
0x9: {  	[smem:$0x3FAE] =	sst s1  }
0xa: {  	[smem:$0x3FAF] =	sst s2  }
0xb: {  	[smem:$0x3FB0] =	sst s3  }
0xc: {  	[smem:$0x3FB1] =	sst s4  }
0xd: {  	[smem:$0x3FB2] =	sst s5  }
0xe: {  	[smem:$0x3FB3] =	sst s6  }
0xf: {  	[smem:$0x3FB4] =	sst s7  }
0x10: {  	[smem:$0x3FB5] =	sst s8  }
0x11: {  	[smem:$0x3FB6] =	sst s9;
	s0 =	simm.s32 @!p0 $0x0  }
0x12: {  	s1 =	sld [smem:$0x3F9C];
	s0 =	simm.s32 @p0 $0x1  }
0x13: {  	[smem:$0x3FB7] =	sst s0;
	s0 =	simm.s32 @!p1 $0x0  }
0x14: {  	s2 =	sld [smem:$0x3F9B];
	s0 =	simm.s32 @p1 $0x1  }
0x15: {  	[smem:$0x3FB8] =	sst s0;
	s0 =	simm.s32 @!p2 $0x0  }
0x16: {  	s3 =	sld [smem:$0x3FDB];
	s0 =	simm.s32 @p2 $0x1  }
0x17: {  	s4 =	simm.s32 $0x1BF5;
	[smem:$0x3FBA] =	sst s0  }
0x18: {  	s0 =	sld [smem:$0x3F9D];
	_ =	swait.ge [sflag:s4], $0x0  }
0x19: {  	s7 =	sld [smem:$0x3F9E]  }
0x1a: {  	s8 =	sadd.s32 $0xFFFFE003, lr  }
0x1b: {  	s9 =	sadd.s32 $0xFFFFFEF7, lr;
	s5 =	simm.s32 $0xFFFFFFFF;
	p2 =	slt.u32 s8, $0xFFFFF086  }
0x1c: {  	p1 =	slt.u32 s9, $0xF7A;
	s5 =	simm.s32 @!p2 $0x0  }
0x1d: {  	s5 =	simm.s32 @p1 $0x1;
	p0 =	seq.s32 s7, s2  }
0x1e: {  	s7 =	smul.u32 @!p0 $0xF7A, s2;
	p2 =	seq.s32 @!p0 s5, $0x0  }
0x1f: {  	s9 =	smul.u32 $0xF7A, s1;
	s8 =	simm.s32 @!p0 $0x1BF5;
	p2 =	por !p2, p0  }
0x20: {  	[sflag:s8] =	ssyncset.s32 @!p0 $0xFFFFF086;
	s6 =	sadd.s32 @!p0 s3, s7;
	s7 =	simm.s32 @!p0 $0x108  }
0x21: {  	s3 =	sadd.s32 s3, s9;
	s6 =	sadd.s32 @!p0 $0x88, s6;
	s7 =	simm.s32 @p2 $0x1082  }
0x22: {  	[simem:s7], [sflag:s8] =	dma.local @!p0 [hbm:s6], $0xF7A  }
0x23: {  	s9 =	sor.u32 $0xD0000000, s2;
	s6 =	simm.s32 $0x108;
	_ =	swait.ge @!p0 [sflag:s8], $0x0  }
0x24: {  	s3 =	sadd.s32 $0x88, s3;
	s6 =	simm.s32 @!p1 $0x1082;
	[sflag:s4] =	ssyncset.s32 $0xFFFFF086  }
0x25: {  	[simem:s6], [sflag:s4] =	dma.local [hbm:s3], $0xF7A  }
0x26: {  	[smem:$0x3F9E] =	sst s1;
	(tag) =	ssettag s2;
	_ =	strace s9  }
0x27: {  	s1 =	sld [smem:$0x3FAE]  }
0x28: {  	s2 =	sld [smem:$0x3FAF]  }
0x29: {  	s4 =	sld [smem:$0x3FB1]  }
0x2a: {  	p0 =	seq.s32 s5, $0x0;
	s5 =	sld [smem:$0x3FB2]  }
0x2b: {  	s6 =	sld [smem:$0x3FB3]  }
0x2c: {  	s7 =	sld [smem:$0x3FB4]  }
0x2d: {  	s3 =	simm.s32 $0x108;
	s8 =	sld [smem:$0x3FB5]  }
0x2e: {  	s3 =	simm.s32 @!p0 $0x1082;
	s9 =	sld [smem:$0x3FB6]  }
0x2f: {  	lr =	sadd.s32 s0, s3;
	s0 =	sld [smem:$0x3FAD]  }
0x30: {  	s3 =	sld [smem:$0x3FB0]  }
0x31: {  	[smem:$0x3FB9] =	sst s10  }
0x32: {  	s10 =	sld [smem:$0x3FB7];
	_ =	sdelay $0x3  }
0x33: {  	p0 =	seq.s32 s10, $0x1;
	s10 =	sld [smem:$0x3FB9];
	_ =	sdelay $0x3  }
0x34: {  	[smem:$0x3FB9] =	sst s10  }
0x35: {  	s10 =	sld [smem:$0x3FB8];
	_ =	sdelay $0x3  }
0x36: {  	p1 =	seq.s32 s10, $0x1;
	s10 =	sld [smem:$0x3FB9];
	_ =	sdelay $0x3  }
0x37: {  	[smem:$0x3FB9] =	sst s10  }
0x38: {  	s10 =	sld [smem:$0x3FBA]  }
0x39: {  	_ = 	snop;
	(pc) =	sbr.ind lr, $3  }
0x3a: {  	_ = 	snop  }
0x3b: {  	_ = 	snop  }
0x3c: {  	p2 =	seq.s32 s10, $0x1;
	s10 =	sld [smem:$0x3FB9]  }
0x3d: {  	_ =	shalt  }
0x3e: {  	_ =	shalt  }
0x3f: {  	_ =	shalt  }
0x40: {  	_ =	shalt  }
0x41: {  	_ =	shalt  }
0x42: {  	_ =	shalt  }
0x43: {  	_ =	shalt  }
0x44: {  	_ =	shalt  }
0x45: {  	_ =	shalt  }
0x46: {  	_ =	shalt  }
0x47: {  	_ =	shalt  }
0x48: {  	_ =	shalt  }
0x49: {  	_ =	shalt  }
0x4a: {  	_ =	shalt  }
0x4b: {  	_ =	shalt  }
0x4c: {  	_ =	shalt  }
0x4d: {  	_ =	shalt  }
0x4e: {  	_ =	shalt  }
0x4f: {  	_ =	shalt  }
0x50: {  	_ =	shalt  }
0x51: {  	_ =	shalt  }
0x52: {  	_ =	shalt  }
0x53: {  	_ =	shalt  }
0x54: {  	_ =	shalt  }
0x55: {  	_ =	shalt  }
0x56: {  	_ =	shalt  }
0x57: {  	_ =	shalt  }
0x58: {  	_ =	shalt  }
0x59: {  	_ =	shalt  }
0x5a: {  	_ =	shalt  }
0x5b: {  	_ =	shalt  }
0x5c: {  	_ =	shalt  }
0x5d: {  	_ =	shalt  }
0x5e: {  	_ =	shalt  }
0x5f: {  	_ =	shalt  }
0x60: {  	_ =	shalt  }
0x61: {  	_ =	shalt  }
0x62: {  	_ =	shalt  }
0x63: {  	_ =	shalt  }
0x64: {  	_ =	shalt  }
0x65: {  	_ =	shalt  }
0x66: {  	_ =	shalt  }
0x67: {  	_ =	shalt  }
0x68: {  	_ =	shalt  }
0x69: {  	_ =	shalt  }
0x6a: {  	_ =	shalt  }
0x6b: {  	_ =	shalt  }
0x6c: {  	_ =	shalt  }
0x6d: {  	_ =	shalt  }
0x6e: {  	_ =	shalt  }
0x6f: {  	_ =	shalt  }
0x70: {  	_ =	shalt  }
0x71: {  	_ =	shalt  }
0x72: {  	_ =	shalt  }
0x73: {  	_ =	shalt  }
0x74: {  	_ =	shalt  }
0x75: {  	_ =	shalt  }
0x76: {  	_ =	shalt  }
0x77: {  	_ =	shalt  }
0x78: {  	_ =	shalt  }
0x79: {  	_ =	shalt  }
0x7a: {  	_ =	shalt  }
0x7b: {  	_ =	shalt  }
0x7c: {  	_ =	shalt  }
0x7d: {  	_ =	shalt  }
0x7e: {  	_ =	shalt  }
0x7f: {  	_ =	shalt  }
0x80: {  	_ =	shalt  }
0x81: {  	_ =	shalt  }
0x82: {  	_ =	shalt  }
0x83: {  	_ =	shalt  }
0x84: {  	_ =	shalt  }
0x85: {  	_ =	shalt  }
0x86: {  	_ =	shalt  }
0x87: {  	_ =	shalt  }
.Lfunc_end0:
.L_simem_size_0:
called_computation_lowered:
.L_overlay_start_0:
0x88: {  	s2 =	sld [smem:$0x3FD9]  }
0x89: {  	s3 =	sld [smem:$0x3FFE];
	_ =	sdelay $0x1  }
0x8a: {  	s1 =	srdreg.scid  }
0x8b: {  	s0 =	sand.u32 $0x1, s1  }
0x8c: {  	s17 =	sshll.u32 s0, $0xA;
	s2 =	sadd.s32 s3, s2  }
0x8d: {  	s2 =	sadd.s32 s2, s17  }
0x8e: {  	[smem:$0x3FC5] =	sst s2  }
0x8f: {  	_ = 	snop  }
0x90: {  	s2 =	sld [smem:$0x3FD0];
	(tm) =	ssettm $0x1  }
0x91: {  	s18 =	sld [smem:$0x3FFB];
	_ =	sdelay $0x3  }
0x92: {  	_ =	strace s18  }
0x93: {  	s3 =	sld [smem:$0x3FFC];
	_ =	sdelay $0x3  }
0x94: {  	_ =	strace s3  }
0x95: {  	s3 =	sld [smem:$0x3FFD];
	_ =	sdelay $0x3  }
0x96: {  	_ =	strace s3  }
0x97: {  	_ =	strace $0x8FFFFFFF  }
0x98: {  	s19 =	sld [smem:$0x3FDB];
	_ =	sdelay $0x1  }
0x99: {  	s4 =	simm.s32 $_scs_section_size  }
0x9a: {  	s5 =	simm.s32 $_size__tile_overlayer_lowered;
	s6 =	simm.s32 $_tile_overlayer_lowered  }
0x9b: {  	s22 =	simm.s32 $0x1BFF;
	s21 =	sshll.u32 s6, $0x1;
	s3 =	sadd.s32 s4, s19  }
0x9c: {  	s7 =	simm.s32 $0x0;
	s20 =	sshll.u32 s5, $0x1;
	s5 =	sadd.s32 s21, s3  }
0x9d: {  	[timem:s7], [sflag:s22] =	dma.local [hbm:s5], s20  }
0x9e: {  	_ =	swait.ge [sflag:s22], s20  }
0x9f: {  	s4 =	ssub.s32 $0x0, s20;
	[sflag:s22] =	ssyncset.done $0x0  }
0xa0: {  	[sflag:s22] =	ssyncadd.s32 s4;
	_ =	sdelay $0x1  }
0xa1: {  	s23 =	simm.s32 $0x1B8B  }
0xa2: {  	_ =	swait.ge [sflag:s23], $0x1  }
0xa3: {  	[sflag:s23] =	ssyncset.done $0x0  }
0xa4: {  	s25 =	simm.s32 $0x1B8E;
	s24 =	sld [smem:$0x3FFE];
	[sflag:s23] =	ssyncadd.s32 $0xFFFFFFFF  }
0xa5: {  	s26 =	simm.s32 $execute0_lowered;
	[smem:$0x3FD2] =	sst s25  }
0xa6: {  	s5 =	sshll.u32 s26, $0x1;
	_ =	strace $0x80000046;
	[dreg:$0x1] =	wrdreg $0xFFFFFFFF  }
0xa7: {  	s28 =	simm.s32 $_size_execute0_lowered;
	s3 =	sadd.s32 s3, s5;
	[dreg:$0x0] =	wrdreg $0x0  }
0xa8: {  	s5 =	sshll.u32 s28, $0x1;
	[dreg:$0x2] =	wrdreg s3  }
0xa9: {  	[dreg:$0x3] =	wrdreg s5  }
0xaa: {  	[dreg:$0x4] =	wrdreg $0xC0  }
0xab: {  	_ =	task [dreg:s7], $0x5FFFF  }
0xac: {  	[dreg:$0x1] =	wrdreg $0xFFFFFFFF  }
0xad: {  	[dreg:$0x0] =	wrdreg $0x60  }
0xae: {  	[dreg:$0x2] =	wrdreg s24  }
0xaf: {  	[dreg:$0x3] =	wrdreg s2  }
0xb0: {  	[dreg:$0x4] =	wrdreg $0x9  }
0xb1: {  	_ =	task.clear_ibuf [dreg:s7], $0x5FFFF;
	_ =	strace $0x90000046  }
0xb2: {  	s29 =	simm.s32 $0x9;
	_ =	strace $0x80000048  }
0xb3: {  	_ =	swait.ge [sflag:s29], $0x1  }
0xb4: {  	[sflag:s29] =	ssyncadd.s32 $0xFFFFFFFF  }
0xb5: {  	_ =	strace $0x90000048  }
0xb6: {  	_ =	sfence  }
0xb7: {  	s30 =	sld [smem:$0x0];
	_ =	sdelay $0x2  }
0xb8: {  	s31 =	sshll.u32 s1, $0xD;
	s1 =	sshrl.u32 s1, $0x2  }
0xb9: {  	s3 =	sand.u32 $0x4000, s31;
	s1 =	sadd.s32 s1, s30  }
0xba: {  	s0 =	sor.u32 s3, s0;
	s1 =	sshll.u32 s1, $0x11  }
0xbb: {  	s0 =	sor.u32 s1, s0  }
0xbc: {  	s0 =	sadd.s32 $0x8F2B, s0  }
0xbd: {  	[sflag:s0] =	ssyncadd.remote.s32 $0x1  }
0xbe: {  	_ =	sfence.sel $0xFFFF  }
0xbf: {  	[dreg:$0x0] =	wrdreg $0xFFFFFFFF;
	(pc) =	sbr.abs _section_cstart, $3  }
0xc0: {  	[dreg:$0x1] =	wrdreg $0xFFFFFFFF  }
0xc1: {  	_ =	task.clear_ibuf [dreg:s7], $0x2FFFF;
	_ =	strace $0x9FFFFFFF  }
0xc2: {  	(tm) =	ssettm $0x7FFFFFFF  }
0xc3: {  	_ =	shalt  }
tec
execute0_lowered:
.L_overlay_start_1:
0x0: {  	(tag) =	ssettag $0x1  }
0x1: {  	s0 =	rddreg [dreg:$0x0]  }
0x2: {  	s1 =	rddreg [dreg:$0x1];
	s2 =	simm.s32 $0x0;
	s7 =	stileid.u32  }
0x3: {  	s5 =	srdreg.scid;
	s19 =	simm.s32 $0x10C00;
	s28 =	simm.s32 $0x11200  }
0x4: {  	s29 =	simm.s32 $0x11400;
	s30 =	simm.s32 $0x11600;
	s31 =	simm.s32 $0x0  }
0x5: {  	[smem:$0x7FF] =	sst s2;
	s3 =	sshrl.u32 s7, $0x2;
	s11 =	sadd.s32 $0x8A00, s0  }
0x6: {  	s5 =	sand.u32 $0x1, s5;
	s7 =	sshll.u32 s7, $0xA;
	_ =	strace $0x80000047  }
0x7: {  	s4 =	sshll.u32 s3, $0xD;
	s6 =	ssub.s32 $0x2, s5;
	s5 =	sshll.u32 s5, $0x9  }
0x8: {  	s20 =	sshll.u32 s3, $0xC;
	s21 =	sshll.u32 s3, $0xF;
	s9 =	smul.u32 $0x3000, s3  }
0x9: {  	s4 =	sadd.s32 s4, s0;
	s8 =	sshrl.u32 s6, $0x1;
	s5 =	sor.u32 s5, s7  }
0xa: {  	s0 =	sadd.s32 $0xCA00, s0;
	s5 =	ssub.s32 s5, s20;
	s16 =	ssub.s32 s6, s8  }
0xb: {  	s3 =	sadd.s32 $0xA00, s4;
	s20 =	simm.s32 $0x10200;
	s10 =	sadd.s32 s21, s5  }
0xc: {  	s12 =	sadd.s32 s9, s5;
	s16 =	smax.u32 s16, $0x1;
	s21 =	simm.s32 $0x10800  }
0xd: {  	s22 =	sadd.s32 $0x3000, s10;
	s23 =	sshrl.u32 s10, $0x3;
	s13 =	sshrl.u32 s12, $0x3  }
0xe: {  	s7 =	sadd.s32 $0x4000, s10;
	s25 =	sadd.s32 $0x1000, s10;
	s9 =	sadd.s32 $0x1000, s12  }
0xf: {  	s26 =	sadd.s32 $0x5000, s10;
	s10 =	sadd.s32 $0x2000, s10;
	s12 =	sadd.s32 $0x2000, s12  }
0x10: {  	s24 =	sshrl.u32 s22, $0x3;
	s4 =	sadd.s32 s11, s23;
	s6 =	sadd.s32 s1, s13  }
0x11: {  	s8 =	sshrl.u32 s25, $0x3;
	s14 =	sshrl.u32 s7, $0x3;
	s15 =	sshrl.u32 s9, $0x3  }
0x12: {  	s10 =	sshrl.u32 s10, $0x3;
	s17 =	sshrl.u32 s12, $0x3;
	s13 =	sadd.s32 s0, s13  }
0x13: {  	s22 =	simm.s32 $0x10E00;
	s23 =	simm.s32 $0x10400;
	s25 =	simm.s32 $0x11000  }
0x14: {  	s5 =	sadd.s32 s11, s24;
	s7 =	sadd.s32 s11, s8;
	s8 =	sadd.s32 s11, s14  }
0x15: {  	s9 =	sadd.s32 s1, s15;
	s14 =	sshrl.u32 s26, $0x3;
	s10 =	sadd.s32 s11, s10  }
0x16: {  	s12 =	sadd.s32 s1, s17;
	s24 =	simm.s32 $0x10A00;
	s26 =	simm.s32 $0x1  }
0x17: {  	s11 =	sadd.s32 s11, s14;
	s14 =	sadd.s32 s0, s15;
	s15 =	sadd.s32 s0, s17  }
.LBB2_1:
0x18: {  	[tilespmem:s2], [sflag:$0x1] =	stream.linear.gather [hbm4b:s3+s2], $0x10000, $0x38;
	[tilespmem:$0x11800] =	vst v63  }
0x19: {  	s0 =	simm.s32 $0x10000  }
0x1a: {  	[tilespmem:s0], [sflag:$0x1] =	stream.linear.gather [hbm4b:s4+s2], $0x200, $0x38;
	[tilespmem:$0x11800] =	vst v63  }
0x1b: {  	s18 =	simm.s32 $0x10600  }
0x1c: {  	[tilespmem:s18], [sflag:$0x1] =	stream.linear.gather [hbm4b:s5+s2], $0x200, $0x38;
	[tilespmem:$0x11800] =	vst v63  }
0x1d: {  	_ = 	snop  }
0x1e: {  	[tilespmem:s19], [sflag:$0x1] =	stream.linear.gather [hbm4b:s6+s2], $0x200, $0x38;
	[tilespmem:$0x11800] =	vst v63  }
0x1f: {  	_ = 	snop  }
0x20: {  	[tilespmem:s20], [sflag:$0x1] =	stream.linear.gather [hbm4b:s7+s2], $0x200, $0x38;
	[tilespmem:$0x11800] =	vst v63  }
0x21: {  	_ = 	snop  }
0x22: {  	[tilespmem:s21], [sflag:$0x1] =	stream.linear.gather [hbm4b:s8+s2], $0x200, $0x38;
	[tilespmem:$0x11800] =	vst v63  }
0x23: {  	_ = 	snop  }
0x24: {  	[tilespmem:s22], [sflag:$0x1] =	stream.linear.gather [hbm4b:s9+s2], $0x200, $0x38;
	[tilespmem:$0x11800] =	vst v63  }
0x25: {  	_ = 	snop  }
0x26: {  	[tilespmem:s23], [sflag:$0x1] =	stream.linear.gather [hbm4b:s10+s2], $0x200, $0x38;
	[tilespmem:$0x11800] =	vst v63  }
0x27: {  	_ = 	snop  }
0x28: {  	[tilespmem:s24], [sflag:$0x1] =	stream.linear.gather [hbm4b:s11+s2], $0x200, $0x38;
	[tilespmem:$0x11800] =	vst v63  }
0x29: {  	_ = 	snop  }
0x2a: {  	[tilespmem:s25], [sflag:$0x1] =	stream.linear.gather [hbm4b:s12+s2], $0x200, $0x38;
	[tilespmem:$0x11800] =	vst v63  }
0x2b: {  	_ =	swait.ge [sflag:s26], $0x10000  }
0x2c: {  	[sflag:s26] =	ssyncset.done $0x0  }
0x2d: {  	[sflag:s26] =	ssyncadd.s32 $0xFFFF0000  }
0x2e: {  	_ =	swait.ge [sflag:s26], $0x200  }
0x2f: {  	[sflag:s26] =	ssyncset.done $0x0  }
0x30: {  	[sflag:s26] =	ssyncadd.s32 $0xFFFFFE00  }
0x31: {  	_ =	swait.ge [sflag:s26], $0x200  }
0x32: {  	[sflag:s26] =	ssyncset.done $0x0  }
0x33: {  	[sflag:s26] =	ssyncadd.s32 $0xFFFFFE00  }
0x34: {  	_ =	swait.ge [sflag:s26], $0x200  }
0x35: {  	[sflag:s26] =	ssyncset.done $0x0  }
0x36: {  	[sflag:s26] =	ssyncadd.s32 $0xFFFFFE00  }
0x37: {  	_ =	swait.ge [sflag:s26], $0x200  }
0x38: {  	[sflag:s26] =	ssyncset.done $0x0  }
0x39: {  	[sflag:s26] =	ssyncadd.s32 $0xFFFFFE00  }
0x3a: {  	_ =	swait.ge [sflag:s26], $0x200  }
0x3b: {  	[sflag:s26] =	ssyncset.done $0x0  }
0x3c: {  	[sflag:s26] =	ssyncadd.s32 $0xFFFFFE00  }
0x3d: {  	_ =	swait.ge [sflag:s26], $0x200  }
0x3e: {  	[sflag:s26] =	ssyncset.done $0x0  }
0x3f: {  	[sflag:s26] =	ssyncadd.s32 $0xFFFFFE00  }
0x40: {  	_ =	swait.ge [sflag:s26], $0x200  }
0x41: {  	[sflag:s26] =	ssyncset.done $0x0  }
0x42: {  	[sflag:s26] =	ssyncadd.s32 $0xFFFFFE00  }
0x43: {  	_ =	swait.ge [sflag:s26], $0x200  }
0x44: {  	[sflag:s26] =	ssyncset.done $0x0  }
0x45: {  	[sflag:s26] =	ssyncadd.s32 $0xFFFFFE00  }
0x46: {  	_ =	swait.ge [sflag:s26], $0x200  }
0x47: {  	[sflag:s26] =	ssyncset.done $0x0  }
0x48: {  	s0 =	simm.s32 $0x0;
	[sflag:s26] =	ssyncadd.s32 $0xFFFFFE00  }
0x49: {  	v3 =	vld [tilespmem:s0+$0x10200]  }
0x4a: {  	v4 =	vld [tilespmem:s0+$0x10000];
	_ =	sdelay $0x1  }
0x4b: {  	v5 =	vld [tilespmem:s0+$0x10400];
	_ =	sdelay $0x2  }
0x4c: {  	v0 =	vld [tilespmem:s0+$0x10800]  }
0x4d: {  	v1 =	vld [tilespmem:s0+$0x10600]  }
0x4e: {  	v6 =	vld.idx.msk [tilespmem:v3+s2+$0x0], $0xffff  }
0x4f: {  	v7 =	vld.idx.msk [tilespmem:v4+s2+$0x0], $0xffff  }
0x50: {  	v2 =	vld [tilespmem:s0+$0x10A00]  }
0x51: {  	v8 =	vld.idx.msk [tilespmem:v5+s2+$0x0], $0xffff;
	_ =	sdelay $0x2  }
0x52: {  	v7 =	vmul.f32 v7, v1;
	v6 =	vmul.f32 v6, v0  }
0x53: {  	v9 =	vld [tilespmem:s0+$0x10C00]  }
0x54: {  	v6 =	vadd.f32 v6, v7;
	v7 =	vmul.f32 v8, v2;
	_ =	sdelay $0x1  }
0x55: {  	v6 =	vadd.f32 v7, v6;
	_ =	sdelay $0x1  }
0x56: {  	v7 =	vadd.s32 $0x1, v4;
	v6 =	vsub.f32 v9, v6  }
0x57: {  	v60 =	vadd.s32 $0x1, v3  }
0x58: {  	v6 =	vmax.f32 v6, $-1.000000000e+01  }
0x59: {  	v61 =	vadd.s32 $0x1, v5;
	v6 =	vmin.f32 v6, $1.000000000e+01  }
0x5a: {  	[tilespmem:s0+$0x11200] =	vst v6  }
0x5b: {  	v6 =	vld.idx.msk [tilespmem:v7+s2+$0x0], $0xffff  }
0x5c: {  	v7 =	vld.idx.msk [tilespmem:v60+s2+$0x0], $0xffff;
	_ =	sdelay $0x1  }
0x5d: {  	v62 =	vld.idx.msk [tilespmem:v61+s2+$0x0], $0xffff;
	_ =	sdelay $0x2  }
0x5e: {  	v6 =	vmul.f32 v6, v1;
	v7 =	vmul.f32 v7, v0  }
0x5f: {  	v63 =	vld [tilespmem:s0+$0x10E00]  }
0x60: {  	v6 =	vadd.f32 v7, v6;
	v7 =	vmul.f32 v62, v2;
	_ =	sdelay $0x1  }
0x61: {  	v6 =	vadd.f32 v7, v6;
	_ =	sdelay $0x1  }
0x62: {  	v4 =	vadd.s32 $0x2, v4;
	v6 =	vsub.f32 v63, v6  }
0x63: {  	v7 =	vadd.s32 $0x2, v3  }
0x64: {  	v5 =	vadd.s32 $0x2, v5;
	v3 =	vmax.f32 v6, $-1.000000000e+01  }
0x65: {  	v3 =	vmin.f32 v3, $1.000000000e+01  }
0x66: {  	[tilespmem:s0+$0x11400] =	vst v3  }
0x67: {  	v3 =	vld.idx.msk [tilespmem:v4+s2+$0x0], $0xffff  }
0x68: {  	v4 =	vld.idx.msk [tilespmem:v7+s2+$0x0], $0xffff  }
0x69: {  	s1 =	simm.s32 $0x80;
	s17 =	simm.s32 $0x10;
	v5 =	vld.idx.msk [tilespmem:v5+s2+$0x0], $0xffff  }
.LBB2_2:
0x6a: {  	p0 =	sne.s32 s1, $0x7C0;
	s18 =	smov.u32 s1;
	s1 =	sadd.s32 $0x40, s1  }
0x6b: {  	_ =	sdelay $0x1  }
0x6c: {  	v1 =	vmul.f32 v3, v1;
	v0 =	vmul.f32 v4, v0;
	v3 =	vld [tilespmem:s0+$0x11000]  }
0x6d: {  	v2 =	vmul.f32 v5, v2  }
0x6e: {  	v0 =	vadd.f32 v0, v1  }
0x6f: {  	v4 =	vld [tilespmem:s17+$0x10200]  }
0x70: {  	v5 =	vld [tilespmem:s17+$0x10000];
	v0 =	vadd.f32 v2, v0  }
0x71: {  	v6 =	vld [tilespmem:s17+$0x10400]  }
0x72: {  	v0 =	vsub.f32 v3, v0;
	_ =	sdelay $0x1  }
0x73: {  	v1 =	vmax.f32 v0, $-1.000000000e+01  }
0x74: {  	v0 =	vld [tilespmem:s17+$0x10800];
	v2 =	vmin.f32 v1, $1.000000000e+01  }
0x75: {  	v1 =	vld [tilespmem:s17+$0x10600];
	[tilespmem:s0+$0x11600] =	vst v2;
	s0 =	smov.u32 s17  }
0x76: {  	v3 =	vld.idx.msk [tilespmem:v4+s2+$0x0], $0xffff  }
0x77: {  	v7 =	vld.idx.msk [tilespmem:v5+s2+$0x0], $0xffff  }
0x78: {  	v8 =	vld.idx.msk [tilespmem:v6+s2+$0x0], $0xffff;
	_ =	sdelay $0x1  }
0x79: {  	v2 =	vld [tilespmem:s0+$0x10A00];
	_ =	sdelay $0x2  }
0x7a: {  	v3 =	vmul.f32 v3, v0;
	v7 =	vmul.f32 v7, v1  }
0x7b: {  	v9 =	vld [tilespmem:s0+$0x10C00]  }
0x7c: {  	v3 =	vadd.f32 v3, v7;
	v7 =	vmul.f32 v8, v2;
	_ =	sdelay $0x1  }
0x7d: {  	v3 =	vadd.f32 v7, v3;
	_ =	sdelay $0x1  }
0x7e: {  	v7 =	vadd.s32 $0x1, v5;
	v3 =	vsub.f32 v9, v3  }
0x7f: {  	v8 =	vadd.s32 $0x1, v4  }
0x80: {  	v3 =	vmax.f32 v3, $-1.000000000e+01  }
0x81: {  	v9 =	vadd.s32 $0x1, v6;
	v3 =	vmin.f32 v3, $1.000000000e+01  }
0x82: {  	[tilespmem:s0+$0x11200] =	vst v3  }
0x83: {  	v3 =	vld.idx.msk [tilespmem:v7+s2+$0x0], $0xffff  }
0x84: {  	v7 =	vld.idx.msk [tilespmem:v8+s2+$0x0], $0xffff;
	_ =	sdelay $0x1  }
0x85: {  	v8 =	vld.idx.msk [tilespmem:v9+s2+$0x0], $0xffff;
	_ =	sdelay $0x3  }
0x86: {  	v3 =	vmul.f32 v3, v1;
	v7 =	vmul.f32 v7, v0  }
0x87: {  	v9 =	vld [tilespmem:s0+$0x10E00]  }
0x88: {  	v3 =	vadd.f32 v7, v3;
	v7 =	vmul.f32 v8, v2;
	_ =	sdelay $0x1  }
0x89: {  	v3 =	vadd.f32 v7, v3;
	_ =	sdelay $0x1  }
0x8a: {  	v5 =	vadd.s32 $0x2, v5;
	v3 =	vsub.f32 v9, v3  }
0x8b: {  	v4 =	vadd.s32 $0x2, v4  }
0x8c: {  	v6 =	vadd.s32 $0x2, v6;
	v3 =	vmax.f32 v3, $-1.000000000e+01  }
.Ltmp0:
0x8d: {  	v3 =	vmin.f32 v3, $1.000000000e+01;
	(pc) =	sbr.rel @p0 .LBB2_2-.Ltmp0, $4  }
0x8e: {  	s17 =	sshra.s32 s18, $0x2;
	[tilespmem:s0+$0x11400] =	vst v3  }
0x8f: {  	v3 =	vld.idx.msk [tilespmem:v5+s2+$0x0], $0xffff  }
0x90: {  	v4 =	vld.idx.msk [tilespmem:v4+s2+$0x0], $0xffff  }
0x91: {  	v5 =	vld.idx.msk [tilespmem:v6+s2+$0x0], $0xffff  }
0x92: {  	_ =	sdelay $0x2  }
0x93: {  	v1 =	vmul.f32 v3, v1;
	v0 =	vmul.f32 v4, v0  }
0x94: {  	v49 =	vld [tilespmem:s0+$0x11000]  }
0x95: {  	v2 =	vmul.f32 v5, v2;
	v0 =	vadd.f32 v0, v1  }
0x96: {  	v50 =	vld [tilespmem:s17+$0x10200]  }
0x97: {  	v51 =	vld [tilespmem:s17+$0x10000];
	v0 =	vadd.f32 v2, v0  }
0x98: {  	v52 =	vld [tilespmem:s17+$0x10400]  }
0x99: {  	v0 =	vsub.f32 v49, v0;
	_ =	sdelay $0x1  }
0x9a: {  	v0 =	vmax.f32 v0, $-1.000000000e+01  }
0x9b: {  	v53 =	vld [tilespmem:s17+$0x10800];
	v0 =	vmin.f32 v0, $1.000000000e+01  }
0x9c: {  	v54 =	vld [tilespmem:s17+$0x10600];
	[tilespmem:s0+$0x11600] =	vst v0  }
0x9d: {  	v0 =	vld.idx.msk [tilespmem:v50+s2+$0x0], $0xffff  }
0x9e: {  	v6 =	vld.idx.msk [tilespmem:v51+s2+$0x0], $0xffff  }
0x9f: {  	v7 =	vld.idx.msk [tilespmem:v52+s2+$0x0], $0xffff  }
0xa0: {  	v8 =	vld [tilespmem:s17+$0x10A00];
	_ =	sdelay $0x2  }
0xa1: {  	v6 =	vmul.f32 v6, v54;
	v0 =	vmul.f32 v0, v53  }
0xa2: {  	v9 =	vld [tilespmem:s17+$0x10C00]  }
0xa3: {  	v55 =	vmul.f32 v7, v8;
	v0 =	vadd.f32 v0, v6;
	_ =	sdelay $0x1  }
0xa4: {  	v0 =	vadd.f32 v55, v0;
	_ =	sdelay $0x1  }
0xa5: {  	v56 =	vadd.s32 $0x1, v51;
	v0 =	vsub.f32 v9, v0  }
0xa6: {  	v57 =	vadd.s32 $0x1, v50  }
0xa7: {  	v0 =	vmax.f32 v0, $-1.000000000e+01  }
0xa8: {  	v58 =	vadd.s32 $0x1, v52;
	v0 =	vmin.f32 v0, $1.000000000e+01  }
0xa9: {  	[tilespmem:s17+$0x11200] =	vst v0  }
0xaa: {  	v0 =	vld.idx.msk [tilespmem:v56+s2+$0x0], $0xffff  }
0xab: {  	v59 =	vld.idx.msk [tilespmem:v57+s2+$0x0], $0xffff;
	_ =	sdelay $0x1  }
0xac: {  	v60 =	vld.idx.msk [tilespmem:v58+s2+$0x0], $0xffff;
	_ =	sdelay $0x2  }
0xad: {  	v0 =	vmul.f32 v0, v54;
	v6 =	vmul.f32 v59, v53  }
0xae: {  	v61 =	vld [tilespmem:s17+$0x10E00]  }
0xaf: {  	v62 =	vmul.f32 v60, v8;
	v0 =	vadd.f32 v6, v0;
	_ =	sdelay $0x1  }
0xb0: {  	v0 =	vadd.f32 v62, v0;
	_ =	sdelay $0x1  }
0xb1: {  	v4 =	vadd.s32 $0x2, v51;
	v0 =	vsub.f32 v61, v0  }
0xb2: {  	v1 =	vadd.s32 $0x2, v50  }
0xb3: {  	v0 =	vmax.f32 v0, $-1.000000000e+01  }
0xb4: {  	v2 =	vadd.s32 $0x2, v52;
	v0 =	vmin.f32 v0, $1.000000000e+01  }
0xb5: {  	[tilespmem:s17+$0x11400] =	vst v0  }
0xb6: {  	v0 =	vld.idx.msk [tilespmem:v4+s2+$0x0], $0xffff  }
0xb7: {  	v1 =	vld.idx.msk [tilespmem:v1+s2+$0x0], $0xffff;
	_ =	sdelay $0x1  }
0xb8: {  	v2 =	vld.idx.msk [tilespmem:v2+s2+$0x0], $0xffff;
	_ =	sdelay $0x2  }
0xb9: {  	v0 =	vmul.f32 v0, v54;
	v1 =	vmul.f32 v1, v53  }
0xba: {  	v63 =	vld [tilespmem:s17+$0x11000]  }
0xbb: {  	v2 =	vmul.f32 v2, v8;
	v0 =	vadd.f32 v1, v0;
	_ =	sdelay $0x1  }
0xbc: {  	v0 =	vadd.f32 v2, v0;
	_ =	sdelay $0x1  }
0xbd: {  	v0 =	vsub.f32 v63, v0;
	_ =	sdelay $0x1  }
0xbe: {  	v0 =	vmax.f32 v0, $-1.000000000e+01  }
0xbf: {  	v0 =	vmin.f32 v0, $1.000000000e+01  }
0xc0: {  	[tilespmem:s17+$0x11600] =	vst v0  }
0xc1: {  	[hbm4b:s13+s2] =	stream.linear.scatter [tilespmem:s28], [sflag:$0x1], $0x200, $0x38;
	[tilespmem:$0x11800] =	vst v63  }
0xc2: {  	_ = 	snop  }
0xc3: {  	[hbm4b:s14+s2] =	stream.linear.scatter [tilespmem:s29], [sflag:$0x1], $0x200, $0x38;
	[tilespmem:$0x11800] =	vst v63  }
0xc4: {  	_ = 	snop  }
0xc5: {  	[hbm4b:s15+s2] =	stream.linear.scatter [tilespmem:s30], [sflag:$0x1], $0x200, $0x38;
	[tilespmem:$0x11800] =	vst v63  }
0xc6: {  	_ =	swait.ge [sflag:s26], $0x200  }
0xc7: {  	[sflag:s26] =	ssyncset.done $0x0  }
0xc8: {  	s31 =	sadd.s32 $0x1, s31;
	[sflag:s26] =	ssyncadd.s32 $0xFFFFFE00  }
0xc9: {  	p0 =	sne.s32 s31, s16;
	_ =	swait.ge [sflag:s26], $0x200  }
.Ltmp1:
0xca: {  	[sflag:s26] =	ssyncset.done $0x0;
	(pc) =	sbr.rel @p0 .LBB2_1-.Ltmp1, $4  }
0xcb: {  	[sflag:s26] =	ssyncadd.s32 $0xFFFFFE00  }
0xcc: {  	_ =	swait.ge [sflag:s26], $0x200  }
0xcd: {  	[sflag:s26] =	ssyncset.done $0x0  }
0xce: {  	[sflag:s26] =	ssyncadd.s32 $0xFFFFFE00  }
0xcf: {  	_ =	sfence.sel $0x180000  }
0xd0: {  	[bflag:$0x0] =	sbarrier.arrive $0xFFFF  }
0xd1: {  	_ =	strace $0x90000047  }
0xd2: {  	s0 =	stileid.u32;
	[bflag:$0x2] =	sbarrier.arrive $0xFFFF  }
0xd3: {  	p0 =	sne.s32 s0, $0x0;
	s0 =	rddreg [dreg:$0x2]  }
0xd4: {  	s0 =	sadd.s32 @!p0 $0x100000, s0  }
0xd5: {  	[sflag:s0] =	ssyncadd.tile.s32 @!p0 $0x1;
	_ =	shalt  }
.Lfunc_end2:
_tile_overlayer_lowered:
.L_overlay_start_2:
0xd6: {  	(tag) =	ssettag $0x2  }
0xd7: {  	s0 =	rddreg [dreg:$0x0];
	s2 =	stileid.u32  }
0xd8: {  	s1 =	rddreg [dreg:$0x1];
	p0 =	sne.s32 s2, $0x0  }
0xd9: {  	s3 =	rddreg [dreg:$0x2];
	[bflag:$0x3] =	sbarrier.arrive $0xFFFF;
	s2 =	simm.s32 @!p0 $0x1C02  }
0xda: {  	[timem:s3], [sflag:s2] =	dma.local @!p0 [hbm:s0], s1  }
0xdb: {  	s0 =	simm.s32 @!p0 $0x2  }
0xdc: {  	_ =	swait.ge @!p0 [sflag:s0], s1  }
0xdd: {  	s1 =	ssub.s32 @!p0 $0x0, s1;
	[sflag:s0] =	ssyncset.done @!p0 $0x0  }
0xde: {  	[sflag:s0] =	ssyncadd.s32 @!p0 s1  }
0xdf: {  	[bflag:$0x3] =	sbarrier.arrive $0xFFFF  }
0xe0: {  	_ =	shalt  }

</sc_bundles>
